<compile_context>
chip_gen: v7x
topology: tpu7x:2x2x1
jax: 0.10.2.dev20260603
libtpu: 0.0.44.dev20260713+nightly
codegen_flags: <defaults>
</compile_context>

<pallas_src>
import functools

import jax
import jax.numpy as jnp
from jax import lax
from jax.experimental import pallas as pl
from jax.experimental.pallas import tpu as pltpu
from jax.experimental.pallas import tpu_sc as plsc

VOCAB = 1000000
EMBED_DIM = 4
BATCH = 16384
SEQ = 200

NC = 2
NS = 16
NW = NC * NS

DP = 8
N_TOTAL = BATCH * SEQ
PER_TILE = N_TOTAL // NW
ROWS_TILE = BATCH // NW
R_BLK = 8
BLK = R_BLK * SEQ
N_BLK = ROWS_TILE // R_BLK
NBUF = 4
N_GRP = N_BLK // NBUF
VPR = SEQ * EMBED_DIM // 16


def _gather_body(table_hbm, ids_hbm, out_hbm, *refs):
    idx_bufs = list(refs[0:4])
    half_bufs = list(refs[4:8])
    rows_bufs = list(refs[8:12])
    out_bufs = list(refs[12:16])
    sem_i = list(refs[16:20])
    sem_r = list(refs[20:24])
    sem_o = list(refs[24:28])

    wid = lax.axis_index("s") * NC + lax.axis_index("c")
    orow0 = wid * ROWS_TILE
    table2 = table_hbm

    iota = lax.iota(jnp.int32, 16)
    row_pat = jnp.right_shift(iota, 2)
    col_pat = jnp.bitwise_and(iota, 3)

    def idx_src(g):
        return ids_hbm.at[wid, pl.ds(g * BLK, BLK)]

    def out_dst(g):
        return out_hbm.at[pl.ds(orow0 + g * R_BLK, R_BLK)]

    def halve(idx_ref, half_ref):
        def step(j, c):
            half_ref[pl.ds(16 * j, 16)] = jnp.right_shift(
                idx_ref[pl.ds(16 * j, 16)], 1)
            return c
        lax.fori_loop(0, BLK // 16, step, 0)

    def compress(idx_ref, rows_ref, out_ref):
        def row(r, c):
            rfull = jnp.broadcast_to(r, (16,)).astype(jnp.int32)
            def step(v, c2):
                jvec = 4 * v + row_pat
                rvec = r * SEQ + jvec
                par = jnp.bitwise_and(plsc.load_gather(idx_ref, [rvec]), 1)
                cvec = col_pat + jnp.left_shift(par, 2)
                vals = plsc.load_gather(rows_ref, [rvec, cvec])
                plsc.store_scatter(out_ref, [rfull, jvec, col_pat], vals)
                return c2
            lax.fori_loop(0, VPR, step, 0)
            return c
        lax.fori_loop(0, R_BLK, row, 0)

    def fire_gather(s):
        pltpu.async_copy(table2.at[half_bufs[s]], rows_bufs[s], sem_r[s])

    def wait_idx(s):
        pltpu.make_async_copy(idx_src(0), idx_bufs[s], sem_i[s]).wait()

    def wait_rows(s):
        pltpu.make_async_copy(table2.at[pl.ds(0, BLK)], rows_bufs[s],
                              sem_r[s]).wait()

    def wait_out(s):
        pltpu.make_async_copy(out_bufs[s], out_dst(0), sem_o[s]).wait()

    pltpu.sync_copy(idx_src(0), idx_bufs[0])
    halve(idx_bufs[0], half_bufs[0])
    fire_gather(0)
    for s in range(1, NBUF):
        pltpu.async_copy(idx_src(s), idx_bufs[s], sem_i[s])

    def group(G, c):
        for u in range(NBUF):
            s = u
            s1 = (u + 1) % NBUF
            g = NBUF * G + u

            if u < NBUF - 1:
                wait_idx(s1)
                halve(idx_bufs[s1], half_bufs[s1])
                fire_gather(s1)
            else:
                @pl.when(G < N_GRP - 1)
                def _():
                    wait_idx(s1)
                    halve(idx_bufs[s1], half_bufs[s1])
                    fire_gather(s1)

            wait_rows(s)

            @pl.when(G >= 1)
            def _():
                wait_out(s)

            compress(idx_bufs[s], rows_bufs[s], out_bufs[s])

            @pl.when(G < N_GRP - 1)
            def _():
                pltpu.async_copy(idx_src(g + NBUF), idx_bufs[s], sem_i[s])

            pltpu.async_copy(out_bufs[s], out_dst(g), sem_o[s])
        return c

    lax.fori_loop(0, N_GRP, group, 0)

    for s in range(NBUF):
        wait_out(s)


@jax.jit
def _embed_gather(ids, table_pairs):
    mesh = plsc.VectorSubcoreMesh(core_axis_name="c", subcore_axis_name="s",
                                  num_cores=NC, num_subcores=NS)
    f = pl.kernel(
        _gather_body,
        out_type=jax.ShapeDtypeStruct((BATCH, SEQ, EMBED_DIM), jnp.float32),
        mesh=mesh,
        scratch_types=(
            [pltpu.VMEM((BLK,), jnp.int32) for _ in range(4)]
            + [pltpu.VMEM((BLK,), jnp.int32) for _ in range(4)]
            + [pltpu.VMEM((BLK, DP), jnp.float32) for _ in range(4)]
            + [pltpu.VMEM((R_BLK, SEQ, EMBED_DIM), jnp.float32)
               for _ in range(4)]
            + [pltpu.SemaphoreType.DMA for _ in range(12)]
        ),
        compiler_params=pltpu.CompilerParams(use_tc_tiling_on_sc=False,
                                             needs_layout_passes=False),
    )
    return f(table_pairs, ids)


def kernel(input_ids, embed_weight):
    ids = input_ids.astype(jnp.int32).reshape(NW, PER_TILE)
    table_pairs = embed_weight.reshape(VOCAB // 2, 2 * EMBED_DIM)
    return _embed_gather(ids, table_pairs)

# --- scband reference (transcript-rebuilt; emitter-appended) ---
"""Pipeline reference for scband-tiny-dream-model-86766929313936 (READ-ONLY COPY).

The authoritative reference and input builder live on the scoring server;
editing this copy changes nothing except your own understanding.
"""

import jax, jax.numpy as jnp
import numpy as np

VOCAB = 1000000
EMBED_DIM = 4
BATCH = 16384
SEQ = 200

def setup_inputs(seed: int = 0) -> dict:
    key = jax.random.key(seed)
    k_idx, k_emb = jax.random.split(key, 2)
    input_ids = jax.random.randint(k_idx, (BATCH, SEQ), 0, VOCAB, dtype=jnp.int64 if jax.config.jax_enable_x64 else jnp.int32)
    # nn.Embedding default init: N(0, 1)
    embed_weight = jax.random.normal(k_emb, (VOCAB, EMBED_DIM), dtype=jnp.float32)
    return {"input_ids": input_ids, "embed_weight": embed_weight}

def reference(input_ids, embed_weight):
    # encode(input_ids) path: embedding lookup, no initial_states, no final states
    ids = input_ids.astype(jnp.int32)
    hidden = jnp.take(embed_weight, ids, axis=0)  # [B, S, 4]
    return hidden

if __name__ == "__main__":
    import jax
    _d = setup_inputs()
    print(jax.jit(kernel)(*tuple(_d.values())))

</pallas_src>

<mosaic_0001>
#map = affine_map<(d0, d1) -> (0, 0)>
#map1 = affine_map<(d0, d1) -> (0, 0, 0)>
module attributes {stable_mosaic.version = 14 : i64} {
  func.func @_gather_body(%arg0: i32, %arg1: i32, %arg2: memref<500000x8xf32, #tpu.memory_space<hbm>>, %arg3: memref<32x102400xi32, #tpu.memory_space<hbm>>, %arg4: memref<16384x200x4xf32, #tpu.memory_space<hbm>>, %arg5: memref<1600xi32, #tpu.memory_space<vmem>>, %arg6: memref<1600xi32, #tpu.memory_space<vmem>>, %arg7: memref<1600xi32, #tpu.memory_space<vmem>>, %arg8: memref<1600xi32, #tpu.memory_space<vmem>>, %arg9: memref<1600xi32, #tpu.memory_space<vmem>>, %arg10: memref<1600xi32, #tpu.memory_space<vmem>>, %arg11: memref<1600xi32, #tpu.memory_space<vmem>>, %arg12: memref<1600xi32, #tpu.memory_space<vmem>>, %arg13: memref<1600x8xf32, #tpu.memory_space<vmem>>, %arg14: memref<1600x8xf32, #tpu.memory_space<vmem>>, %arg15: memref<1600x8xf32, #tpu.memory_space<vmem>>, %arg16: memref<1600x8xf32, #tpu.memory_space<vmem>>, %arg17: memref<8x200x4xf32, #tpu.memory_space<vmem>>, %arg18: memref<8x200x4xf32, #tpu.memory_space<vmem>>, %arg19: memref<8x200x4xf32, #tpu.memory_space<vmem>>, %arg20: memref<8x200x4xf32, #tpu.memory_space<vmem>>, %arg21: memref<!tpu.dma_semaphore, #tpu.memory_space<semaphore_mem>>, %arg22: memref<!tpu.dma_semaphore, #tpu.memory_space<semaphore_mem>>, %arg23: memref<!tpu.dma_semaphore, #tpu.memory_space<semaphore_mem>>, %arg24: memref<!tpu.dma_semaphore, #tpu.memory_space<semaphore_mem>>, %arg25: memref<!tpu.dma_semaphore, #tpu.memory_space<semaphore_mem>>, %arg26: memref<!tpu.dma_semaphore, #tpu.memory_space<semaphore_mem>>, %arg27: memref<!tpu.dma_semaphore, #tpu.memory_space<semaphore_mem>>, %arg28: memref<!tpu.dma_semaphore, #tpu.memory_space<semaphore_mem>>, %arg29: memref<!tpu.dma_semaphore, #tpu.memory_space<semaphore_mem>>, %arg30: memref<!tpu.dma_semaphore, #tpu.memory_space<semaphore_mem>>, %arg31: memref<!tpu.dma_semaphore, #tpu.memory_space<semaphore_mem>>, %arg32: memref<!tpu.dma_semaphore, #tpu.memory_space<semaphore_mem>>) attributes {dimension_semantics = [#tpu.dimension_semantics<core_parallel>, #tpu.dimension_semantics<subcore_parallel>], iteration_bounds = array<i64: 2, 16>, scalar_prefetch = 0 : i64, scratch_operands = 28 : i64, tpu.core_type = #tpu.core_type<sc_vector_subcore>, window_params = [{transform_indices = #map}, {transform_indices = #map}, {transform_indices = #map1}]} {
    %mul3A = arith.constant 2 : i32
    %mul3A_0 = arith.muli %arg1, %mul3A : i32
    %add3A = arith.addi %mul3A_0, %arg0 : i32
    %mul3A_1 = arith.constant 512 : i32
    %mul3A_2 = arith.muli %add3A, %mul3A_1 : i32
    %iota3A = tpu.iota {dimensions = array<i32: 0>} : vector<16xi32>
    %shift_right_arithmetic3A = arith.constant 2 : i32
    %shift_right_arithmetic3A_3 = vector.broadcast %shift_right_arithmetic3A : i32 to vector<16xi32>
    %shift_right_arithmetic3A_4 = arith.shrsi %iota3A, %shift_right_arithmetic3A_3 : vector<16xi32>
    %and3A = arith.constant 3 : i32
    %and3A_5 = vector.broadcast %and3A : i32 to vector<16xi32>
    %and3A_6 = arith.andi %iota3A, %and3A_5 : vector<16xi32>
    "tpu.region"() ({
      %run_scoped3A = tpu.sem_alloc : memref<!tpu.dma_semaphore, #tpu.memory_space<semaphore_mem>>
      %dma_start3A_69 = arith.constant 0 : i32
      %dma_start3A_70 = tpu.memref_slice %arg3[%add3A, %dma_start3A_69] : memref<32x102400xi32, #tpu.memory_space<hbm>> -> memref<1x1600xi32, #tpu.memory_space<hbm>>
      %dma_start3A_71 = tpu.memref_squeeze %dma_start3A_70 : memref<1x1600xi32, #tpu.memory_space<hbm>> -> memref<1600xi32, #tpu.memory_space<hbm>>
      %dma_start3A_72 = arith.constant 0 : i32
      %dma_start3A_73 = tpu.memref_slice %arg3[%add3A, %dma_start3A_72] : memref<32x102400xi32, #tpu.memory_space<hbm>> -> memref<1x1600xi32, #tpu.memory_space<hbm>>
      %dma_start3A_74 = tpu.memref_squeeze %dma_start3A_73 : memref<1x1600xi32, #tpu.memory_space<hbm>> -> memref<1600xi32, #tpu.memory_space<hbm>>
      tpu.enqueue_dma source(%dma_start3A_74 : memref<1600xi32, #tpu.memory_space<hbm>>) target(%arg5 : memref<1600xi32, #tpu.memory_space<vmem>>) target_semaphore(%run_scoped3A : memref<!tpu.dma_semaphore, #tpu.memory_space<semaphore_mem>>)
      %dma_wait3A_75 = arith.constant 0 : i32
      %dma_wait3A_76 = tpu.memref_slice %arg3[%add3A, %dma_wait3A_75] : memref<32x102400xi32, #tpu.memory_space<hbm>> -> memref<1x1600xi32, #tpu.memory_space<hbm>>
      %dma_wait3A_77 = tpu.memref_squeeze %dma_wait3A_76 : memref<1x1600xi32, #tpu.memory_space<hbm>> -> memref<1600xi32, #tpu.memory_space<hbm>>
      %dma_wait3A_78 = arith.constant 0 : i32
      %dma_wait3A_79 = tpu.memref_slice %arg3[%add3A, %dma_wait3A_78] : memref<32x102400xi32, #tpu.memory_space<hbm>> -> memref<1x1600xi32, #tpu.memory_space<hbm>>
      %dma_wait3A_80 = tpu.memref_squeeze %dma_wait3A_79 : memref<1x1600xi32, #tpu.memory_space<hbm>> -> memref<1600xi32, #tpu.memory_space<hbm>>
      tpu.wait_dma2 semaphore(%run_scoped3A : memref<!tpu.dma_semaphore, #tpu.memory_space<semaphore_mem>>) src(%dma_wait3A_80 : memref<1600xi32, #tpu.memory_space<hbm>>) dst(%arg5 : memref<1600xi32, #tpu.memory_space<vmem>>)
      tpu.yield
    }) : () -> ()
    %scan3A = arith.constant 0 : i32
    %scan3A_7 = arith.constant 0 : i32
    %scan3A_8 = arith.constant 100 : i32
    %scan3A_9 = arith.addi %scan3A_7, %scan3A_8 : i32
    %scan3A_10 = arith.constant 1 : i32
    scf.for %scan3A_69 = %scan3A_7 to %scan3A_9 step %scan3A_10  : i32 {
      %mul3A_70 = arith.constant 16 : i32
      %mul3A_71 = arith.muli %mul3A_70, %scan3A_69 : i32
      %get3A = arith.index_cast %mul3A_71 : i32 to index
      %get3A_72 = tpu.vector_load %arg5[%get3A] {strides = array<i32>} : memref<1600xi32, #tpu.memory_space<vmem>>, vector<16xi32>,
      %shift_right_arithmetic3A_73 = arith.constant 1 : i32
      %shift_right_arithmetic3A_74 = vector.broadcast %shift_right_arithmetic3A_73 : i32 to vector<16xi32>
      %shift_right_arithmetic3A_75 = arith.shrsi %get3A_72, %shift_right_arithmetic3A_74 : vector<16xi32>
      %mul3A_76 = arith.constant 16 : i32
      %mul3A_77 = arith.muli %mul3A_76, %scan3A_69 : i32
      %swap3A = arith.index_cast %mul3A_77 : i32 to index
      %swap3A_78 = tpu.vector_load %arg9[%swap3A] {strides = array<i32>} : memref<1600xi32, #tpu.memory_space<vmem>>, vector<16xi32>,
      tpu.vector_store %arg9[%swap3A], %shift_right_arithmetic3A_75 {strides = array<i32>} : memref<1600xi32, #tpu.memory_space<vmem>>, vector<16xi32>,
    }
    %scan3A_11 = arith.constant 100 : i32
    %dma_start3A = arith.constant 0 : i32
    %dma_start3A_12 = arith.constant 0 : i32
    %dma_start3A_13 = tpu.memref_slice %arg2[%dma_start3A, %dma_start3A_12] : memref<500000x8xf32, #tpu.memory_space<hbm>> -> memref<500000x8xf32, #tpu.memory_space<hbm>>
    tpu.enqueue_indirect_dma source(%dma_start3A_13 : memref<500000x8xf32, #tpu.memory_space<hbm>>) target(%arg13 : memref<1600x8xf32, #tpu.memory_space<vmem>>) offsets(%arg9 : memref<1600xi32, #tpu.memory_space<vmem>>) semaphore(%arg25 : memref<!tpu.dma_semaphore, #tpu.memory_space<semaphore_mem>>)
    %dma_start3A_14 = arith.constant 1600 : i32
    %dma_start3A_15 = tpu.memref_slice %arg3[%add3A, %dma_start3A_14] : memref<32x102400xi32, #tpu.memory_space<hbm>> -> memref<1x1600xi32, #tpu.memory_space<hbm>>
    %dma_start3A_16 = tpu.memref_squeeze %dma_start3A_15 : memref<1x1600xi32, #tpu.memory_space<hbm>> -> memref<1600xi32, #tpu.memory_space<hbm>>
    %dma_start3A_17 = arith.constant 1600 : i32
    %dma_start3A_18 = tpu.memref_slice %arg3[%add3A, %dma_start3A_17] : memref<32x102400xi32, #tpu.memory_space<hbm>> -> memref<1x1600xi32, #tpu.memory_space<hbm>>
    %dma_start3A_19 = tpu.memref_squeeze %dma_start3A_18 : memref<1x1600xi32, #tpu.memory_space<hbm>> -> memref<1600xi32, #tpu.memory_space<hbm>>
    tpu.enqueue_dma source(%dma_start3A_19 : memref<1600xi32, #tpu.memory_space<hbm>>) target(%arg6 : memref<1600xi32, #tpu.memory_space<vmem>>) target_semaphore(%arg22 : memref<!tpu.dma_semaphore, #tpu.memory_space<semaphore_mem>>)
    %dma_start3A_20 = arith.constant 3200 : i32
    %dma_start3A_21 = tpu.memref_slice %arg3[%add3A, %dma_start3A_20] : memref<32x102400xi32, #tpu.memory_space<hbm>> -> memref<1x1600xi32, #tpu.memory_space<hbm>>
    %dma_start3A_22 = tpu.memref_squeeze %dma_start3A_21 : memref<1x1600xi32, #tpu.memory_space<hbm>> -> memref<1600xi32, #tpu.memory_space<hbm>>
    %dma_start3A_23 = arith.constant 3200 : i32
    %dma_start3A_24 = tpu.memref_slice %arg3[%add3A, %dma_start3A_23] : memref<32x102400xi32, #tpu.memory_space<hbm>> -> memref<1x1600xi32, #tpu.memory_space<hbm>>
    %dma_start3A_25 = tpu.memref_squeeze %dma_start3A_24 : memref<1x1600xi32, #tpu.memory_space<hbm>> -> memref<1600xi32, #tpu.memory_space<hbm>>
    tpu.enqueue_dma source(%dma_start3A_25 : memref<1600xi32, #tpu.memory_space<hbm>>) target(%arg7 : memref<1600xi32, #tpu.memory_space<vmem>>) target_semaphore(%arg23 : memref<!tpu.dma_semaphore, #tpu.memory_space<semaphore_mem>>)
    %dma_start3A_26 = arith.constant 4800 : i32
    %dma_start3A_27 = tpu.memref_slice %arg3[%add3A, %dma_start3A_26] : memref<32x102400xi32, #tpu.memory_space<hbm>> -> memref<1x1600xi32, #tpu.memory_space<hbm>>
    %dma_start3A_28 = tpu.memref_squeeze %dma_start3A_27 : memref<1x1600xi32, #tpu.memory_space<hbm>> -> memref<1600xi32, #tpu.memory_space<hbm>>
    %dma_start3A_29 = arith.constant 4800 : i32
    %dma_start3A_30 = tpu.memref_slice %arg3[%add3A, %dma_start3A_29] : memref<32x102400xi32, #tpu.memory_space<hbm>> -> memref<1x1600xi32, #tpu.memory_space<hbm>>
    %dma_start3A_31 = tpu.memref_squeeze %dma_start3A_30 : memref<1x1600xi32, #tpu.memory_space<hbm>> -> memref<1600xi32, #tpu.memory_space<hbm>>
    tpu.enqueue_dma source(%dma_start3A_31 : memref<1600xi32, #tpu.memory_space<hbm>>) target(%arg8 : memref<1600xi32, #tpu.memory_space<vmem>>) target_semaphore(%arg24 : memref<!tpu.dma_semaphore, #tpu.memory_space<semaphore_mem>>)
    %scan3A_32 = arith.constant 0 : i32
    %scan3A_33 = arith.constant 0 : i32
    %scan3A_34 = arith.constant 16 : i32
    %scan3A_35 = arith.addi %scan3A_33, %scan3A_34 : i32
    %scan3A_36 = arith.constant 1 : i32
    scf.for %scan3A_69 = %scan3A_33 to %scan3A_35 step %scan3A_36  : i32 {
      %mul3A_70 = arith.constant 4 : i32
      %mul3A_71 = arith.muli %mul3A_70, %scan3A_69 : i32
      %add3A_72 = arith.constant 0 : i32
      %add3A_73 = arith.addi %mul3A_71, %add3A_72 : i32
      %dma_wait3A_74 = arith.constant 0 : i32
      %dma_wait3A_75 = tpu.memref_slice %arg3[%add3A, %dma_wait3A_74] : memref<32x102400xi32, #tpu.memory_space<hbm>> -> memref<1x1600xi32, #tpu.memory_space<hbm>>
      %dma_wait3A_76 = tpu.memref_squeeze %dma_wait3A_75 : memref<1x1600xi32, #tpu.memory_space<hbm>> -> memref<1600xi32, #tpu.memory_space<hbm>>
      %dma_wait3A_77 = arith.constant 0 : i32
      %dma_wait3A_78 = tpu.memref_slice %arg3[%add3A, %dma_wait3A_77] : memref<32x102400xi32, #tpu.memory_space<hbm>> -> memref<1x1600xi32, #tpu.memory_space<hbm>>
      %dma_wait3A_79 = tpu.memref_squeeze %dma_wait3A_78 : memref<1x1600xi32, #tpu.memory_space<hbm>> -> memref<1600xi32, #tpu.memory_space<hbm>>
      tpu.wait_dma2 semaphore(%arg22 : memref<!tpu.dma_semaphore, #tpu.memory_space<semaphore_mem>>) src(%dma_wait3A_79 : memref<1600xi32, #tpu.memory_space<hbm>>) dst(%arg6 : memref<1600xi32, #tpu.memory_space<vmem>>)
      %scan3A_80 = arith.constant 0 : i32
      %scan3A_81 = arith.constant 0 : i32
      %scan3A_82 = arith.constant 100 : i32
      %scan3A_83 = arith.addi %scan3A_81, %scan3A_82 : i32
      %scan3A_84 = arith.constant 1 : i32
      scf.for %scan3A_256 = %scan3A_81 to %scan3A_83 step %scan3A_84  : i32 {
        %mul3A_257 = arith.constant 16 : i32
        %mul3A_258 = arith.muli %mul3A_257, %scan3A_256 : i32
        %get3A = arith.index_cast %mul3A_258 : i32 to index
        %get3A_259 = tpu.vector_load %arg6[%get3A] {strides = array<i32>} : memref<1600xi32, #tpu.memory_space<vmem>>, vector<16xi32>,
        %shift_right_arithmetic3A_260 = arith.constant 1 : i32
        %shift_right_arithmetic3A_261 = vector.broadcast %shift_right_arithmetic3A_260 : i32 to vector<16xi32>
        %shift_right_arithmetic3A_262 = arith.shrsi %get3A_259, %shift_right_arithmetic3A_261 : vector<16xi32>
        %mul3A_263 = arith.constant 16 : i32
        %mul3A_264 = arith.muli %mul3A_263, %scan3A_256 : i32
        %swap3A = arith.index_cast %mul3A_264 : i32 to index
        %swap3A_265 = tpu.vector_load %arg10[%swap3A] {strides = array<i32>} : memref<1600xi32, #tpu.memory_space<vmem>>, vector<16xi32>,
        tpu.vector_store %arg10[%swap3A], %shift_right_arithmetic3A_262 {strides = array<i32>} : memref<1600xi32, #tpu.memory_space<vmem>>, vector<16xi32>,
      }
      %scan3A_85 = arith.constant 100 : i32
      %dma_start3A_86 = arith.constant 0 : i32
      %dma_start3A_87 = arith.constant 0 : i32
      %dma_start3A_88 = tpu.memref_slice %arg2[%dma_start3A_86, %dma_start3A_87] : memref<500000x8xf32, #tpu.memory_space<hbm>> -> memref<500000x8xf32, #tpu.memory_space<hbm>>
      tpu.enqueue_indirect_dma source(%dma_start3A_88 : memref<500000x8xf32, #tpu.memory_space<hbm>>) target(%arg14 : memref<1600x8xf32, #tpu.memory_space<vmem>>) offsets(%arg10 : memref<1600xi32, #tpu.memory_space<vmem>>) semaphore(%arg26 : memref<!tpu.dma_semaphore, #tpu.memory_space<semaphore_mem>>)
      %dma_wait3A_89 = arith.constant 0 : i32
      %dma_wait3A_90 = arith.constant 0 : i32
      %dma_wait3A_91 = tpu.memref_slice %arg2[%dma_wait3A_89, %dma_wait3A_90] : memref<500000x8xf32, #tpu.memory_space<hbm>> -> memref<1600x8xf32, #tpu.memory_space<hbm>>
      %dma_wait3A_92 = arith.constant 0 : i32
      %dma_wait3A_93 = arith.constant 0 : i32
      %dma_wait3A_94 = tpu.memref_slice %arg2[%dma_wait3A_92, %dma_wait3A_93] : memref<500000x8xf32, #tpu.memory_space<hbm>> -> memref<1600x8xf32, #tpu.memory_space<hbm>>
      tpu.wait_dma2 semaphore(%arg25 : memref<!tpu.dma_semaphore, #tpu.memory_space<semaphore_mem>>) src(%dma_wait3A_94 : memref<1600x8xf32, #tpu.memory_space<hbm>>) dst(%arg13 : memref<1600x8xf32, #tpu.memory_space<vmem>>)
      %ge3A = arith.constant 1 : i32
      %ge3A_95 = arith.cmpi sge, %scan3A_69, %ge3A : i32
      %convert_element_type3A = arith.extui %ge3A_95 : i1 to i32
      %cond3A = arith.constant 0 : i32
      %cond3A_96 = arith.cmpi ne, %convert_element_type3A, %cond3A : i32
      scf.if %cond3A_96 {
        %add3A_256 = arith.constant 0 : i32
        %add3A_257 = arith.addi %mul3A_2, %add3A_256 : i32
        %dma_wait3A_258 = arith.constant 0 : i32
        %dma_wait3A_259 = arith.constant 0 : i32
        %dma_wait3A_260 = tpu.memref_slice %arg4[%add3A_257, %dma_wait3A_258, %dma_wait3A_259] : memref<16384x200x4xf32, #tpu.memory_space<hbm>> -> memref<8x200x4xf32, #tpu.memory_space<hbm>>
        %dma_wait3A_261 = arith.constant 0 : i32
        %dma_wait3A_262 = arith.constant 0 : i32
        %dma_wait3A_263 = tpu.memref_slice %arg4[%add3A_257, %dma_wait3A_261, %dma_wait3A_262] : memref<16384x200x4xf32, #tpu.memory_space<hbm>> -> memref<8x200x4xf32, #tpu.memory_space<hbm>>
        tpu.wait_dma2 semaphore(%arg29 : memref<!tpu.dma_semaphore, #tpu.memory_space<semaphore_mem>>) src(%arg17 : memref<8x200x4xf32, #tpu.memory_space<vmem>>) dst(%dma_wait3A_263 : memref<8x200x4xf32, #tpu.memory_space<hbm>>)
      } else {
      }
      %scan3A_97 = arith.constant 0 : i32
      %scan3A_98 = arith.constant 0 : i32
      %scan3A_99 = arith.constant 8 : i32
      %scan3A_100 = arith.addi %scan3A_98, %scan3A_99 : i32
      %scan3A_101 = arith.constant 1 : i32
      scf.for %scan3A_256 = %scan3A_98 to %scan3A_100 step %scan3A_101  : i32 {
        %broadcast_in_dim3A = vector.broadcast %scan3A_256 : i32 to vector<16xi32>
        %scan3A_257 = arith.constant 0 : i32
        %scan3A_258 = arith.constant 0 : i32
        %scan3A_259 = arith.constant 50 : i32
        %scan3A_260 = arith.addi %scan3A_258, %scan3A_259 : i32
        %scan3A_261 = arith.constant 1 : i32
        scf.for %scan3A_263 = %scan3A_258 to %scan3A_260 step %scan3A_261  : i32 {
          %mul3A_264 = arith.constant 4 : i32
          %mul3A_265 = arith.muli %mul3A_264, %scan3A_263 : i32
          %add3A_266 = vector.broadcast %mul3A_265 : i32 to vector<16xi32>
          %add3A_267 = arith.addi %add3A_266, %shift_right_arithmetic3A_4 : vector<16xi32>
          %mul3A_268 = arith.constant 200 : i32
          %mul3A_269 = arith.muli %scan3A_256, %mul3A_268 : i32
          %add3A_270 = vector.broadcast %mul3A_269 : i32 to vector<16xi32>
          %add3A_271 = arith.addi %add3A_270, %add3A_267 : vector<16xi32>
          %gather3A = tpu.vector_load_idx %arg5[%add3A_271] : memref<1600xi32, #tpu.memory_space<vmem>>[vector<16xi32>], vector<16xi32>,
          %and3A_272 = arith.constant 1 : i32
          %and3A_273 = vector.broadcast %and3A_272 : i32 to vector<16xi32>
          %and3A_274 = arith.andi %gather3A, %and3A_273 : vector<16xi32>
          %shift_left3A = arith.constant 2 : i32
          %shift_left3A_275 = vector.broadcast %shift_left3A : i32 to vector<16xi32>
          %shift_left3A_276 = arith.shli %and3A_274, %shift_left3A_275 : vector<16xi32>
          %add3A_277 = arith.addi %and3A_6, %shift_left3A_276 : vector<16xi32>
          %gather3A_278 = tpu.vector_load_idx %arg13[%add3A_271, %add3A_277] : memref<1600x8xf32, #tpu.memory_space<vmem>>[vector<16xi32>, vector<16xi32>], vector<16xf32>,
          tpu.vector_store_idx %arg17[%broadcast_in_dim3A, %add3A_267, %and3A_6], %gather3A_278 : memref<8x200x4xf32, #tpu.memory_space<vmem>>[vector<16xi32>, vector<16xi32>, vector<16xi32>], vector<16xf32>,
        }
        %scan3A_262 = arith.constant 50 : i32
      }
      %scan3A_102 = arith.constant 8 : i32
      %lt3A = arith.constant 15 : i32
      %lt3A_103 = arith.cmpi slt, %scan3A_69, %lt3A : i32
      %convert_element_type3A_104 = arith.extui %lt3A_103 : i1 to i32
      %cond3A_105 = arith.constant 0 : i32
      %cond3A_106 = arith.cmpi ne, %convert_element_type3A_104, %cond3A_105 : i32
      scf.if %cond3A_106 {
        %add3A_256 = arith.constant 4 : i32
        %add3A_257 = arith.addi %add3A_73, %add3A_256 : i32
        %mul3A_258 = arith.constant 1600 : i32
        %mul3A_259 = arith.muli %add3A_257, %mul3A_258 : i32
        %dma_start3A_260 = tpu.memref_slice %arg3[%add3A, %mul3A_259] : memref<32x102400xi32, #tpu.memory_space<hbm>> -> memref<1x1600xi32, #tpu.memory_space<hbm>>
        %dma_start3A_261 = tpu.memref_squeeze %dma_start3A_260 : memref<1x1600xi32, #tpu.memory_space<hbm>> -> memref<1600xi32, #tpu.memory_space<hbm>>
        %dma_start3A_262 = tpu.memref_slice %arg3[%add3A, %mul3A_259] : memref<32x102400xi32, #tpu.memory_space<hbm>> -> memref<1x1600xi32, #tpu.memory_space<hbm>>
        %dma_start3A_263 = tpu.memref_squeeze %dma_start3A_262 : memref<1x1600xi32, #tpu.memory_space<hbm>> -> memref<1600xi32, #tpu.memory_space<hbm>>
        tpu.enqueue_dma source(%dma_start3A_263 : memref<1600xi32, #tpu.memory_space<hbm>>) target(%arg5 : memref<1600xi32, #tpu.memory_space<vmem>>) target_semaphore(%arg21 : memref<!tpu.dma_semaphore, #tpu.memory_space<semaphore_mem>>)
      } else {
      }
      %mul3A_107 = arith.constant 8 : i32
      %mul3A_108 = arith.muli %add3A_73, %mul3A_107 : i32
      %add3A_109 = arith.addi %mul3A_2, %mul3A_108 : i32
      %dma_start3A_110 = arith.constant 0 : i32
      %dma_start3A_111 = arith.constant 0 : i32
      %dma_start3A_112 = tpu.memref_slice %arg4[%add3A_109, %dma_start3A_110, %dma_start3A_111] : memref<16384x200x4xf32, #tpu.memory_space<hbm>> -> memref<8x200x4xf32, #tpu.memory_space<hbm>>
      %dma_start3A_113 = arith.constant 0 : i32
      %dma_start3A_114 = arith.constant 0 : i32
      %dma_start3A_115 = tpu.memref_slice %arg4[%add3A_109, %dma_start3A_113, %dma_start3A_114] : memref<16384x200x4xf32, #tpu.memory_space<hbm>> -> memref<8x200x4xf32, #tpu.memory_space<hbm>>
      tpu.enqueue_dma source(%arg17 : memref<8x200x4xf32, #tpu.memory_space<vmem>>) target(%dma_start3A_115 : memref<8x200x4xf32, #tpu.memory_space<hbm>>) target_semaphore(%arg29 : memref<!tpu.dma_semaphore, #tpu.memory_space<semaphore_mem>>)
      %mul3A_116 = arith.constant 4 : i32
      %mul3A_117 = arith.muli %mul3A_116, %scan3A_69 : i32
      %add3A_118 = arith.constant 1 : i32
      %add3A_119 = arith.addi %mul3A_117, %add3A_118 : i32
      %dma_wait3A_120 = arith.constant 0 : i32
      %dma_wait3A_121 = tpu.memref_slice %arg3[%add3A, %dma_wait3A_120] : memref<32x102400xi32, #tpu.memory_space<hbm>> -> memref<1x1600xi32, #tpu.memory_space<hbm>>
      %dma_wait3A_122 = tpu.memref_squeeze %dma_wait3A_121 : memref<1x1600xi32, #tpu.memory_space<hbm>> -> memref<1600xi32, #tpu.memory_space<hbm>>
      %dma_wait3A_123 = arith.constant 0 : i32
      %dma_wait3A_124 = tpu.memref_slice %arg3[%add3A, %dma_wait3A_123] : memref<32x102400xi32, #tpu.memory_space<hbm>> -> memref<1x1600xi32, #tpu.memory_space<hbm>>
      %dma_wait3A_125 = tpu.memref_squeeze %dma_wait3A_124 : memref<1x1600xi32, #tpu.memory_space<hbm>> -> memref<1600xi32, #tpu.memory_space<hbm>>
      tpu.wait_dma2 semaphore(%arg23 : memref<!tpu.dma_semaphore, #tpu.memory_space<semaphore_mem>>) src(%dma_wait3A_125 : memref<1600xi32, #tpu.memory_space<hbm>>) dst(%arg7 : memref<1600xi32, #tpu.memory_space<vmem>>)
      %scan3A_126 = arith.constant 0 : i32
      %scan3A_127 = arith.constant 0 : i32
      %scan3A_128 = arith.constant 100 : i32
      %scan3A_129 = arith.addi %scan3A_127, %scan3A_128 : i32
      %scan3A_130 = arith.constant 1 : i32
      scf.for %scan3A_256 = %scan3A_127 to %scan3A_129 step %scan3A_130  : i32 {
        %mul3A_257 = arith.constant 16 : i32
        %mul3A_258 = arith.muli %mul3A_257, %scan3A_256 : i32
        %get3A = arith.index_cast %mul3A_258 : i32 to index
        %get3A_259 = tpu.vector_load %arg7[%get3A] {strides = array<i32>} : memref<1600xi32, #tpu.memory_space<vmem>>, vector<16xi32>,
        %shift_right_arithmetic3A_260 = arith.constant 1 : i32
        %shift_right_arithmetic3A_261 = vector.broadcast %shift_right_arithmetic3A_260 : i32 to vector<16xi32>
        %shift_right_arithmetic3A_262 = arith.shrsi %get3A_259, %shift_right_arithmetic3A_261 : vector<16xi32>
        %mul3A_263 = arith.constant 16 : i32
        %mul3A_264 = arith.muli %mul3A_263, %scan3A_256 : i32
        %swap3A = arith.index_cast %mul3A_264 : i32 to index
        %swap3A_265 = tpu.vector_load %arg11[%swap3A] {strides = array<i32>} : memref<1600xi32, #tpu.memory_space<vmem>>, vector<16xi32>,
        tpu.vector_store %arg11[%swap3A], %shift_right_arithmetic3A_262 {strides = array<i32>} : memref<1600xi32, #tpu.memory_space<vmem>>, vector<16xi32>,
      }
      %scan3A_131 = arith.constant 100 : i32
      %dma_start3A_132 = arith.constant 0 : i32
      %dma_start3A_133 = arith.constant 0 : i32
      %dma_start3A_134 = tpu.memref_slice %arg2[%dma_start3A_132, %dma_start3A_133] : memref<500000x8xf32, #tpu.memory_space<hbm>> -> memref<500000x8xf32, #tpu.memory_space<hbm>>
      tpu.enqueue_indirect_dma source(%dma_start3A_134 : memref<500000x8xf32, #tpu.memory_space<hbm>>) target(%arg15 : memref<1600x8xf32, #tpu.memory_space<vmem>>) offsets(%arg11 : memref<1600xi32, #tpu.memory_space<vmem>>) semaphore(%arg27 : memref<!tpu.dma_semaphore, #tpu.memory_space<semaphore_mem>>)
      %dma_wait3A_135 = arith.constant 0 : i32
      %dma_wait3A_136 = arith.constant 0 : i32
      %dma_wait3A_137 = tpu.memref_slice %arg2[%dma_wait3A_135, %dma_wait3A_136] : memref<500000x8xf32, #tpu.memory_space<hbm>> -> memref<1600x8xf32, #tpu.memory_space<hbm>>
      %dma_wait3A_138 = arith.constant 0 : i32
      %dma_wait3A_139 = arith.constant 0 : i32
      %dma_wait3A_140 = tpu.memref_slice %arg2[%dma_wait3A_138, %dma_wait3A_139] : memref<500000x8xf32, #tpu.memory_space<hbm>> -> memref<1600x8xf32, #tpu.memory_space<hbm>>
      tpu.wait_dma2 semaphore(%arg26 : memref<!tpu.dma_semaphore, #tpu.memory_space<semaphore_mem>>) src(%dma_wait3A_140 : memref<1600x8xf32, #tpu.memory_space<hbm>>) dst(%arg14 : memref<1600x8xf32, #tpu.memory_space<vmem>>)
      %ge3A_141 = arith.constant 1 : i32
      %ge3A_142 = arith.cmpi sge, %scan3A_69, %ge3A_141 : i32
      %convert_element_type3A_143 = arith.extui %ge3A_142 : i1 to i32
      %cond3A_144 = arith.constant 0 : i32
      %cond3A_145 = arith.cmpi ne, %convert_element_type3A_143, %cond3A_144 : i32
      scf.if %cond3A_145 {
        %add3A_256 = arith.constant 0 : i32
        %add3A_257 = arith.addi %mul3A_2, %add3A_256 : i32
        %dma_wait3A_258 = arith.constant 0 : i32
        %dma_wait3A_259 = arith.constant 0 : i32
        %dma_wait3A_260 = tpu.memref_slice %arg4[%add3A_257, %dma_wait3A_258, %dma_wait3A_259] : memref<16384x200x4xf32, #tpu.memory_space<hbm>> -> memref<8x200x4xf32, #tpu.memory_space<hbm>>
        %dma_wait3A_261 = arith.constant 0 : i32
        %dma_wait3A_262 = arith.constant 0 : i32
        %dma_wait3A_263 = tpu.memref_slice %arg4[%add3A_257, %dma_wait3A_261, %dma_wait3A_262] : memref<16384x200x4xf32, #tpu.memory_space<hbm>> -> memref<8x200x4xf32, #tpu.memory_space<hbm>>
        tpu.wait_dma2 semaphore(%arg30 : memref<!tpu.dma_semaphore, #tpu.memory_space<semaphore_mem>>) src(%arg18 : memref<8x200x4xf32, #tpu.memory_space<vmem>>) dst(%dma_wait3A_263 : memref<8x200x4xf32, #tpu.memory_space<hbm>>)
      } else {
      }
      %scan3A_146 = arith.constant 0 : i32
      %scan3A_147 = arith.constant 0 : i32
      %scan3A_148 = arith.constant 8 : i32
      %scan3A_149 = arith.addi %scan3A_147, %scan3A_148 : i32
      %scan3A_150 = arith.constant 1 : i32
      scf.for %scan3A_256 = %scan3A_147 to %scan3A_149 step %scan3A_150  : i32 {
        %broadcast_in_dim3A = vector.broadcast %scan3A_256 : i32 to vector<16xi32>
        %scan3A_257 = arith.constant 0 : i32
        %scan3A_258 = arith.constant 0 : i32
        %scan3A_259 = arith.constant 50 : i32
        %scan3A_260 = arith.addi %scan3A_258, %scan3A_259 : i32
        %scan3A_261 = arith.constant 1 : i32
        scf.for %scan3A_263 = %scan3A_258 to %scan3A_260 step %scan3A_261  : i32 {
          %mul3A_264 = arith.constant 4 : i32
          %mul3A_265 = arith.muli %mul3A_264, %scan3A_263 : i32
          %add3A_266 = vector.broadcast %mul3A_265 : i32 to vector<16xi32>
          %add3A_267 = arith.addi %add3A_266, %shift_right_arithmetic3A_4 : vector<16xi32>
          %mul3A_268 = arith.constant 200 : i32
          %mul3A_269 = arith.muli %scan3A_256, %mul3A_268 : i32
          %add3A_270 = vector.broadcast %mul3A_269 : i32 to vector<16xi32>
          %add3A_271 = arith.addi %add3A_270, %add3A_267 : vector<16xi32>
          %gather3A = tpu.vector_load_idx %arg6[%add3A_271] : memref<1600xi32, #tpu.memory_space<vmem>>[vector<16xi32>], vector<16xi32>,
          %and3A_272 = arith.constant 1 : i32
          %and3A_273 = vector.broadcast %and3A_272 : i32 to vector<16xi32>
          %and3A_274 = arith.andi %gather3A, %and3A_273 : vector<16xi32>
          %shift_left3A = arith.constant 2 : i32
          %shift_left3A_275 = vector.broadcast %shift_left3A : i32 to vector<16xi32>
          %shift_left3A_276 = arith.shli %and3A_274, %shift_left3A_275 : vector<16xi32>
          %add3A_277 = arith.addi %and3A_6, %shift_left3A_276 : vector<16xi32>
          %gather3A_278 = tpu.vector_load_idx %arg14[%add3A_271, %add3A_277] : memref<1600x8xf32, #tpu.memory_space<vmem>>[vector<16xi32>, vector<16xi32>], vector<16xf32>,
          tpu.vector_store_idx %arg18[%broadcast_in_dim3A, %add3A_267, %and3A_6], %gather3A_278 : memref<8x200x4xf32, #tpu.memory_space<vmem>>[vector<16xi32>, vector<16xi32>, vector<16xi32>], vector<16xf32>,
        }
        %scan3A_262 = arith.constant 50 : i32
      }
      %scan3A_151 = arith.constant 8 : i32
      %lt3A_152 = arith.constant 15 : i32
      %lt3A_153 = arith.cmpi slt, %scan3A_69, %lt3A_152 : i32
      %convert_element_type3A_154 = arith.extui %lt3A_153 : i1 to i32
      %cond3A_155 = arith.constant 0 : i32
      %cond3A_156 = arith.cmpi ne, %convert_element_type3A_154, %cond3A_155 : i32
      scf.if %cond3A_156 {
        %add3A_256 = arith.constant 4 : i32
        %add3A_257 = arith.addi %add3A_119, %add3A_256 : i32
        %mul3A_258 = arith.constant 1600 : i32
        %mul3A_259 = arith.muli %add3A_257, %mul3A_258 : i32
        %dma_start3A_260 = tpu.memref_slice %arg3[%add3A, %mul3A_259] : memref<32x102400xi32, #tpu.memory_space<hbm>> -> memref<1x1600xi32, #tpu.memory_space<hbm>>
        %dma_start3A_261 = tpu.memref_squeeze %dma_start3A_260 : memref<1x1600xi32, #tpu.memory_space<hbm>> -> memref<1600xi32, #tpu.memory_space<hbm>>
        %dma_start3A_262 = tpu.memref_slice %arg3[%add3A, %mul3A_259] : memref<32x102400xi32, #tpu.memory_space<hbm>> -> memref<1x1600xi32, #tpu.memory_space<hbm>>
        %dma_start3A_263 = tpu.memref_squeeze %dma_start3A_262 : memref<1x1600xi32, #tpu.memory_space<hbm>> -> memref<1600xi32, #tpu.memory_space<hbm>>
        tpu.enqueue_dma source(%dma_start3A_263 : memref<1600xi32, #tpu.memory_space<hbm>>) target(%arg6 : memref<1600xi32, #tpu.memory_space<vmem>>) target_semaphore(%arg22 : memref<!tpu.dma_semaphore, #tpu.memory_space<semaphore_mem>>)
      } else {
      }
      %mul3A_157 = arith.constant 8 : i32
      %mul3A_158 = arith.muli %add3A_119, %mul3A_157 : i32
      %add3A_159 = arith.addi %mul3A_2, %mul3A_158 : i32
      %dma_start3A_160 = arith.constant 0 : i32
      %dma_start3A_161 = arith.constant 0 : i32
      %dma_start3A_162 = tpu.memref_slice %arg4[%add3A_159, %dma_start3A_160, %dma_start3A_161] : memref<16384x200x4xf32, #tpu.memory_space<hbm>> -> memref<8x200x4xf32, #tpu.memory_space<hbm>>
      %dma_start3A_163 = arith.constant 0 : i32
      %dma_start3A_164 = arith.constant 0 : i32
      %dma_start3A_165 = tpu.memref_slice %arg4[%add3A_159, %dma_start3A_163, %dma_start3A_164] : memref<16384x200x4xf32, #tpu.memory_space<hbm>> -> memref<8x200x4xf32, #tpu.memory_space<hbm>>
      tpu.enqueue_dma source(%arg18 : memref<8x200x4xf32, #tpu.memory_space<vmem>>) target(%dma_start3A_165 : memref<8x200x4xf32, #tpu.memory_space<hbm>>) target_semaphore(%arg30 : memref<!tpu.dma_semaphore, #tpu.memory_space<semaphore_mem>>)
      %mul3A_166 = arith.constant 4 : i32
      %mul3A_167 = arith.muli %mul3A_166, %scan3A_69 : i32
      %add3A_168 = arith.constant 2 : i32
      %add3A_169 = arith.addi %mul3A_167, %add3A_168 : i32
      %dma_wait3A_170 = arith.constant 0 : i32
      %dma_wait3A_171 = tpu.memref_slice %arg3[%add3A, %dma_wait3A_170] : memref<32x102400xi32, #tpu.memory_space<hbm>> -> memref<1x1600xi32, #tpu.memory_space<hbm>>
      %dma_wait3A_172 = tpu.memref_squeeze %dma_wait3A_171 : memref<1x1600xi32, #tpu.memory_space<hbm>> -> memref<1600xi32, #tpu.memory_space<hbm>>
      %dma_wait3A_173 = arith.constant 0 : i32
      %dma_wait3A_174 = tpu.memref_slice %arg3[%add3A, %dma_wait3A_173] : memref<32x102400xi32, #tpu.memory_space<hbm>> -> memref<1x1600xi32, #tpu.memory_space<hbm>>
      %dma_wait3A_175 = tpu.memref_squeeze %dma_wait3A_174 : memref<1x1600xi32, #tpu.memory_space<hbm>> -> memref<1600xi32, #tpu.memory_space<hbm>>
      tpu.wait_dma2 semaphore(%arg24 : memref<!tpu.dma_semaphore, #tpu.memory_space<semaphore_mem>>) src(%dma_wait3A_175 : memref<1600xi32, #tpu.memory_space<hbm>>) dst(%arg8 : memref<1600xi32, #tpu.memory_space<vmem>>)
      %scan3A_176 = arith.constant 0 : i32
      %scan3A_177 = arith.constant 0 : i32
      %scan3A_178 = arith.constant 100 : i32
      %scan3A_179 = arith.addi %scan3A_177, %scan3A_178 : i32
      %scan3A_180 = arith.constant 1 : i32
      scf.for %scan3A_256 = %scan3A_177 to %scan3A_179 step %scan3A_180  : i32 {
        %mul3A_257 = arith.constant 16 : i32
        %mul3A_258 = arith.muli %mul3A_257, %scan3A_256 : i32
        %get3A = arith.index_cast %mul3A_258 : i32 to index
        %get3A_259 = tpu.vector_load %arg8[%get3A] {strides = array<i32>} : memref<1600xi32, #tpu.memory_space<vmem>>, vector<16xi32>,
        %shift_right_arithmetic3A_260 = arith.constant 1 : i32
        %shift_right_arithmetic3A_261 = vector.broadcast %shift_right_arithmetic3A_260 : i32 to vector<16xi32>
        %shift_right_arithmetic3A_262 = arith.shrsi %get3A_259, %shift_right_arithmetic3A_261 : vector<16xi32>
        %mul3A_263 = arith.constant 16 : i32
        %mul3A_264 = arith.muli %mul3A_263, %scan3A_256 : i32
        %swap3A = arith.index_cast %mul3A_264 : i32 to index
        %swap3A_265 = tpu.vector_load %arg12[%swap3A] {strides = array<i32>} : memref<1600xi32, #tpu.memory_space<vmem>>, vector<16xi32>,
        tpu.vector_store %arg12[%swap3A], %shift_right_arithmetic3A_262 {strides = array<i32>} : memref<1600xi32, #tpu.memory_space<vmem>>, vector<16xi32>,
      }
      %scan3A_181 = arith.constant 100 : i32
      %dma_start3A_182 = arith.constant 0 : i32
      %dma_start3A_183 = arith.constant 0 : i32
      %dma_start3A_184 = tpu.memref_slice %arg2[%dma_start3A_182, %dma_start3A_183] : memref<500000x8xf32, #tpu.memory_space<hbm>> -> memref<500000x8xf32, #tpu.memory_space<hbm>>
      tpu.enqueue_indirect_dma source(%dma_start3A_184 : memref<500000x8xf32, #tpu.memory_space<hbm>>) target(%arg16 : memref<1600x8xf32, #tpu.memory_space<vmem>>) offsets(%arg12 : memref<1600xi32, #tpu.memory_space<vmem>>) semaphore(%arg28 : memref<!tpu.dma_semaphore, #tpu.memory_space<semaphore_mem>>)
      %dma_wait3A_185 = arith.constant 0 : i32
      %dma_wait3A_186 = arith.constant 0 : i32
      %dma_wait3A_187 = tpu.memref_slice %arg2[%dma_wait3A_185, %dma_wait3A_186] : memref<500000x8xf32, #tpu.memory_space<hbm>> -> memref<1600x8xf32, #tpu.memory_space<hbm>>
      %dma_wait3A_188 = arith.constant 0 : i32
      %dma_wait3A_189 = arith.constant 0 : i32
      %dma_wait3A_190 = tpu.memref_slice %arg2[%dma_wait3A_188, %dma_wait3A_189] : memref<500000x8xf32, #tpu.memory_space<hbm>> -> memref<1600x8xf32, #tpu.memory_space<hbm>>
      tpu.wait_dma2 semaphore(%arg27 : memref<!tpu.dma_semaphore, #tpu.memory_space<semaphore_mem>>) src(%dma_wait3A_190 : memref<1600x8xf32, #tpu.memory_space<hbm>>) dst(%arg15 : memref<1600x8xf32, #tpu.memory_space<vmem>>)
      %ge3A_191 = arith.constant 1 : i32
      %ge3A_192 = arith.cmpi sge, %scan3A_69, %ge3A_191 : i32
      %convert_element_type3A_193 = arith.extui %ge3A_192 : i1 to i32
      %cond3A_194 = arith.constant 0 : i32
      %cond3A_195 = arith.cmpi ne, %convert_element_type3A_193, %cond3A_194 : i32
      scf.if %cond3A_195 {
        %add3A_256 = arith.constant 0 : i32
        %add3A_257 = arith.addi %mul3A_2, %add3A_256 : i32
        %dma_wait3A_258 = arith.constant 0 : i32
        %dma_wait3A_259 = arith.constant 0 : i32
        %dma_wait3A_260 = tpu.memref_slice %arg4[%add3A_257, %dma_wait3A_258, %dma_wait3A_259] : memref<16384x200x4xf32, #tpu.memory_space<hbm>> -> memref<8x200x4xf32, #tpu.memory_space<hbm>>
        %dma_wait3A_261 = arith.constant 0 : i32
        %dma_wait3A_262 = arith.constant 0 : i32
        %dma_wait3A_263 = tpu.memref_slice %arg4[%add3A_257, %dma_wait3A_261, %dma_wait3A_262] : memref<16384x200x4xf32, #tpu.memory_space<hbm>> -> memref<8x200x4xf32, #tpu.memory_space<hbm>>
        tpu.wait_dma2 semaphore(%arg31 : memref<!tpu.dma_semaphore, #tpu.memory_space<semaphore_mem>>) src(%arg19 : memref<8x200x4xf32, #tpu.memory_space<vmem>>) dst(%dma_wait3A_263 : memref<8x200x4xf32, #tpu.memory_space<hbm>>)
      } else {
      }
      %scan3A_196 = arith.constant 0 : i32
      %scan3A_197 = arith.constant 0 : i32
      %scan3A_198 = arith.constant 8 : i32
      %scan3A_199 = arith.addi %scan3A_197, %scan3A_198 : i32
      %scan3A_200 = arith.constant 1 : i32
      scf.for %scan3A_256 = %scan3A_197 to %scan3A_199 step %scan3A_200  : i32 {
        %broadcast_in_dim3A = vector.broadcast %scan3A_256 : i32 to vector<16xi32>
        %scan3A_257 = arith.constant 0 : i32
        %scan3A_258 = arith.constant 0 : i32
        %scan3A_259 = arith.constant 50 : i32
        %scan3A_260 = arith.addi %scan3A_258, %scan3A_259 : i32
        %scan3A_261 = arith.constant 1 : i32
        scf.for %scan3A_263 = %scan3A_258 to %scan3A_260 step %scan3A_261  : i32 {
          %mul3A_264 = arith.constant 4 : i32
          %mul3A_265 = arith.muli %mul3A_264, %scan3A_263 : i32
          %add3A_266 = vector.broadcast %mul3A_265 : i32 to vector<16xi32>
          %add3A_267 = arith.addi %add3A_266, %shift_right_arithmetic3A_4 : vector<16xi32>
          %mul3A_268 = arith.constant 200 : i32
          %mul3A_269 = arith.muli %scan3A_256, %mul3A_268 : i32
          %add3A_270 = vector.broadcast %mul3A_269 : i32 to vector<16xi32>
          %add3A_271 = arith.addi %add3A_270, %add3A_267 : vector<16xi32>
          %gather3A = tpu.vector_load_idx %arg7[%add3A_271] : memref<1600xi32, #tpu.memory_space<vmem>>[vector<16xi32>], vector<16xi32>,
          %and3A_272 = arith.constant 1 : i32
          %and3A_273 = vector.broadcast %and3A_272 : i32 to vector<16xi32>
          %and3A_274 = arith.andi %gather3A, %and3A_273 : vector<16xi32>
          %shift_left3A = arith.constant 2 : i32
          %shift_left3A_275 = vector.broadcast %shift_left3A : i32 to vector<16xi32>
          %shift_left3A_276 = arith.shli %and3A_274, %shift_left3A_275 : vector<16xi32>
          %add3A_277 = arith.addi %and3A_6, %shift_left3A_276 : vector<16xi32>
          %gather3A_278 = tpu.vector_load_idx %arg15[%add3A_271, %add3A_277] : memref<1600x8xf32, #tpu.memory_space<vmem>>[vector<16xi32>, vector<16xi32>], vector<16xf32>,
          tpu.vector_store_idx %arg19[%broadcast_in_dim3A, %add3A_267, %and3A_6], %gather3A_278 : memref<8x200x4xf32, #tpu.memory_space<vmem>>[vector<16xi32>, vector<16xi32>, vector<16xi32>], vector<16xf32>,
        }
        %scan3A_262 = arith.constant 50 : i32
      }
      %scan3A_201 = arith.constant 8 : i32
      %lt3A_202 = arith.constant 15 : i32
      %lt3A_203 = arith.cmpi slt, %scan3A_69, %lt3A_202 : i32
      %convert_element_type3A_204 = arith.extui %lt3A_203 : i1 to i32
      %cond3A_205 = arith.constant 0 : i32
      %cond3A_206 = arith.cmpi ne, %convert_element_type3A_204, %cond3A_205 : i32
      scf.if %cond3A_206 {
        %add3A_256 = arith.constant 4 : i32
        %add3A_257 = arith.addi %add3A_169, %add3A_256 : i32
        %mul3A_258 = arith.constant 1600 : i32
        %mul3A_259 = arith.muli %add3A_257, %mul3A_258 : i32
        %dma_start3A_260 = tpu.memref_slice %arg3[%add3A, %mul3A_259] : memref<32x102400xi32, #tpu.memory_space<hbm>> -> memref<1x1600xi32, #tpu.memory_space<hbm>>
        %dma_start3A_261 = tpu.memref_squeeze %dma_start3A_260 : memref<1x1600xi32, #tpu.memory_space<hbm>> -> memref<1600xi32, #tpu.memory_space<hbm>>
        %dma_start3A_262 = tpu.memref_slice %arg3[%add3A, %mul3A_259] : memref<32x102400xi32, #tpu.memory_space<hbm>> -> memref<1x1600xi32, #tpu.memory_space<hbm>>
        %dma_start3A_263 = tpu.memref_squeeze %dma_start3A_262 : memref<1x1600xi32, #tpu.memory_space<hbm>> -> memref<1600xi32, #tpu.memory_space<hbm>>
        tpu.enqueue_dma source(%dma_start3A_263 : memref<1600xi32, #tpu.memory_space<hbm>>) target(%arg7 : memref<1600xi32, #tpu.memory_space<vmem>>) target_semaphore(%arg23 : memref<!tpu.dma_semaphore, #tpu.memory_space<semaphore_mem>>)
      } else {
      }
      %mul3A_207 = arith.constant 8 : i32
      %mul3A_208 = arith.muli %add3A_169, %mul3A_207 : i32
      %add3A_209 = arith.addi %mul3A_2, %mul3A_208 : i32
      %dma_start3A_210 = arith.constant 0 : i32
      %dma_start3A_211 = arith.constant 0 : i32
      %dma_start3A_212 = tpu.memref_slice %arg4[%add3A_209, %dma_start3A_210, %dma_start3A_211] : memref<16384x200x4xf32, #tpu.memory_space<hbm>> -> memref<8x200x4xf32, #tpu.memory_space<hbm>>
      %dma_start3A_213 = arith.constant 0 : i32
      %dma_start3A_214 = arith.constant 0 : i32
      %dma_start3A_215 = tpu.memref_slice %arg4[%add3A_209, %dma_start3A_213, %dma_start3A_214] : memref<16384x200x4xf32, #tpu.memory_space<hbm>> -> memref<8x200x4xf32, #tpu.memory_space<hbm>>
      tpu.enqueue_dma source(%arg19 : memref<8x200x4xf32, #tpu.memory_space<vmem>>) target(%dma_start3A_215 : memref<8x200x4xf32, #tpu.memory_space<hbm>>) target_semaphore(%arg31 : memref<!tpu.dma_semaphore, #tpu.memory_space<semaphore_mem>>)
      %mul3A_216 = arith.constant 4 : i32
      %mul3A_217 = arith.muli %mul3A_216, %scan3A_69 : i32
      %add3A_218 = arith.constant 3 : i32
      %add3A_219 = arith.addi %mul3A_217, %add3A_218 : i32
      %lt3A_220 = arith.constant 15 : i32
      %lt3A_221 = arith.cmpi slt, %scan3A_69, %lt3A_220 : i32
      %convert_element_type3A_222 = arith.extui %lt3A_221 : i1 to i32
      %cond3A_223 = arith.constant 0 : i32
      %cond3A_224 = arith.cmpi ne, %convert_element_type3A_222, %cond3A_223 : i32
      scf.if %cond3A_224 {
        %dma_wait3A_256 = arith.constant 0 : i32
        %dma_wait3A_257 = tpu.memref_slice %arg3[%add3A, %dma_wait3A_256] : memref<32x102400xi32, #tpu.memory_space<hbm>> -> memref<1x1600xi32, #tpu.memory_space<hbm>>
        %dma_wait3A_258 = tpu.memref_squeeze %dma_wait3A_257 : memref<1x1600xi32, #tpu.memory_space<hbm>> -> memref<1600xi32, #tpu.memory_space<hbm>>
        %dma_wait3A_259 = arith.constant 0 : i32
        %dma_wait3A_260 = tpu.memref_slice %arg3[%add3A, %dma_wait3A_259] : memref<32x102400xi32, #tpu.memory_space<hbm>> -> memref<1x1600xi32, #tpu.memory_space<hbm>>
        %dma_wait3A_261 = tpu.memref_squeeze %dma_wait3A_260 : memref<1x1600xi32, #tpu.memory_space<hbm>> -> memref<1600xi32, #tpu.memory_space<hbm>>
        tpu.wait_dma2 semaphore(%arg21 : memref<!tpu.dma_semaphore, #tpu.memory_space<semaphore_mem>>) src(%dma_wait3A_261 : memref<1600xi32, #tpu.memory_space<hbm>>) dst(%arg5 : memref<1600xi32, #tpu.memory_space<vmem>>)
        %scan3A_262 = arith.constant 0 : i32
        %scan3A_263 = arith.constant 0 : i32
        %scan3A_264 = arith.constant 100 : i32
        %scan3A_265 = arith.addi %scan3A_263, %scan3A_264 : i32
        %scan3A_266 = arith.constant 1 : i32
        scf.for %scan3A_271 = %scan3A_263 to %scan3A_265 step %scan3A_266  : i32 {
          %mul3A_272 = arith.constant 16 : i32
          %mul3A_273 = arith.muli %mul3A_272, %scan3A_271 : i32
          %get3A = arith.index_cast %mul3A_273 : i32 to index
          %get3A_274 = tpu.vector_load %arg5[%get3A] {strides = array<i32>} : memref<1600xi32, #tpu.memory_space<vmem>>, vector<16xi32>,
          %shift_right_arithmetic3A_275 = arith.constant 1 : i32
          %shift_right_arithmetic3A_276 = vector.broadcast %shift_right_arithmetic3A_275 : i32 to vector<16xi32>
          %shift_right_arithmetic3A_277 = arith.shrsi %get3A_274, %shift_right_arithmetic3A_276 : vector<16xi32>
          %mul3A_278 = arith.constant 16 : i32
          %mul3A_279 = arith.muli %mul3A_278, %scan3A_271 : i32
          %swap3A = arith.index_cast %mul3A_279 : i32 to index
          %swap3A_280 = tpu.vector_load %arg9[%swap3A] {strides = array<i32>} : memref<1600xi32, #tpu.memory_space<vmem>>, vector<16xi32>,
          tpu.vector_store %arg9[%swap3A], %shift_right_arithmetic3A_277 {strides = array<i32>} : memref<1600xi32, #tpu.memory_space<vmem>>, vector<16xi32>,
        }
        %scan3A_267 = arith.constant 100 : i32
        %dma_start3A_268 = arith.constant 0 : i32
        %dma_start3A_269 = arith.constant 0 : i32
        %dma_start3A_270 = tpu.memref_slice %arg2[%dma_start3A_268, %dma_start3A_269] : memref<500000x8xf32, #tpu.memory_space<hbm>> -> memref<500000x8xf32, #tpu.memory_space<hbm>>
        tpu.enqueue_indirect_dma source(%dma_start3A_270 : memref<500000x8xf32, #tpu.memory_space<hbm>>) target(%arg13 : memref<1600x8xf32, #tpu.memory_space<vmem>>) offsets(%arg9 : memref<1600xi32, #tpu.memory_space<vmem>>) semaphore(%arg25 : memref<!tpu.dma_semaphore, #tpu.memory_space<semaphore_mem>>)
      } else {
      }
      %dma_wait3A_225 = arith.constant 0 : i32
      %dma_wait3A_226 = arith.constant 0 : i32
      %dma_wait3A_227 = tpu.memref_slice %arg2[%dma_wait3A_225, %dma_wait3A_226] : memref<500000x8xf32, #tpu.memory_space<hbm>> -> memref<1600x8xf32, #tpu.memory_space<hbm>>
      %dma_wait3A_228 = arith.constant 0 : i32
      %dma_wait3A_229 = arith.constant 0 : i32
      %dma_wait3A_230 = tpu.memref_slice %arg2[%dma_wait3A_228, %dma_wait3A_229] : memref<500000x8xf32, #tpu.memory_space<hbm>> -> memref<1600x8xf32, #tpu.memory_space<hbm>>
      tpu.wait_dma2 semaphore(%arg28 : memref<!tpu.dma_semaphore, #tpu.memory_space<semaphore_mem>>) src(%dma_wait3A_230 : memref<1600x8xf32, #tpu.memory_space<hbm>>) dst(%arg16 : memref<1600x8xf32, #tpu.memory_space<vmem>>)
      %ge3A_231 = arith.constant 1 : i32
      %ge3A_232 = arith.cmpi sge, %scan3A_69, %ge3A_231 : i32
      %convert_element_type3A_233 = arith.extui %ge3A_232 : i1 to i32
      %cond3A_234 = arith.constant 0 : i32
      %cond3A_235 = arith.cmpi ne, %convert_element_type3A_233, %cond3A_234 : i32
      scf.if %cond3A_235 {
        %add3A_256 = arith.constant 0 : i32
        %add3A_257 = arith.addi %mul3A_2, %add3A_256 : i32
        %dma_wait3A_258 = arith.constant 0 : i32
        %dma_wait3A_259 = arith.constant 0 : i32
        %dma_wait3A_260 = tpu.memref_slice %arg4[%add3A_257, %dma_wait3A_258, %dma_wait3A_259] : memref<16384x200x4xf32, #tpu.memory_space<hbm>> -> memref<8x200x4xf32, #tpu.memory_space<hbm>>
        %dma_wait3A_261 = arith.constant 0 : i32
        %dma_wait3A_262 = arith.constant 0 : i32
        %dma_wait3A_263 = tpu.memref_slice %arg4[%add3A_257, %dma_wait3A_261, %dma_wait3A_262] : memref<16384x200x4xf32, #tpu.memory_space<hbm>> -> memref<8x200x4xf32, #tpu.memory_space<hbm>>
        tpu.wait_dma2 semaphore(%arg32 : memref<!tpu.dma_semaphore, #tpu.memory_space<semaphore_mem>>) src(%arg20 : memref<8x200x4xf32, #tpu.memory_space<vmem>>) dst(%dma_wait3A_263 : memref<8x200x4xf32, #tpu.memory_space<hbm>>)
      } else {
      }
      %scan3A_236 = arith.constant 0 : i32
      %scan3A_237 = arith.constant 0 : i32
      %scan3A_238 = arith.constant 8 : i32
      %scan3A_239 = arith.addi %scan3A_237, %scan3A_238 : i32
      %scan3A_240 = arith.constant 1 : i32
      scf.for %scan3A_256 = %scan3A_237 to %scan3A_239 step %scan3A_240  : i32 {
        %broadcast_in_dim3A = vector.broadcast %scan3A_256 : i32 to vector<16xi32>
        %scan3A_257 = arith.constant 0 : i32
        %scan3A_258 = arith.constant 0 : i32
        %scan3A_259 = arith.constant 50 : i32
        %scan3A_260 = arith.addi %scan3A_258, %scan3A_259 : i32
        %scan3A_261 = arith.constant 1 : i32
        scf.for %scan3A_263 = %scan3A_258 to %scan3A_260 step %scan3A_261  : i32 {
          %mul3A_264 = arith.constant 4 : i32
          %mul3A_265 = arith.muli %mul3A_264, %scan3A_263 : i32
          %add3A_266 = vector.broadcast %mul3A_265 : i32 to vector<16xi32>
          %add3A_267 = arith.addi %add3A_266, %shift_right_arithmetic3A_4 : vector<16xi32>
          %mul3A_268 = arith.constant 200 : i32
          %mul3A_269 = arith.muli %scan3A_256, %mul3A_268 : i32
          %add3A_270 = vector.broadcast %mul3A_269 : i32 to vector<16xi32>
          %add3A_271 = arith.addi %add3A_270, %add3A_267 : vector<16xi32>
          %gather3A = tpu.vector_load_idx %arg8[%add3A_271] : memref<1600xi32, #tpu.memory_space<vmem>>[vector<16xi32>], vector<16xi32>,
          %and3A_272 = arith.constant 1 : i32
          %and3A_273 = vector.broadcast %and3A_272 : i32 to vector<16xi32>
          %and3A_274 = arith.andi %gather3A, %and3A_273 : vector<16xi32>
          %shift_left3A = arith.constant 2 : i32
          %shift_left3A_275 = vector.broadcast %shift_left3A : i32 to vector<16xi32>
          %shift_left3A_276 = arith.shli %and3A_274, %shift_left3A_275 : vector<16xi32>
          %add3A_277 = arith.addi %and3A_6, %shift_left3A_276 : vector<16xi32>
          %gather3A_278 = tpu.vector_load_idx %arg16[%add3A_271, %add3A_277] : memref<1600x8xf32, #tpu.memory_space<vmem>>[vector<16xi32>, vector<16xi32>], vector<16xf32>,
          tpu.vector_store_idx %arg20[%broadcast_in_dim3A, %add3A_267, %and3A_6], %gather3A_278 : memref<8x200x4xf32, #tpu.memory_space<vmem>>[vector<16xi32>, vector<16xi32>, vector<16xi32>], vector<16xf32>,
        }
        %scan3A_262 = arith.constant 50 : i32
      }
      %scan3A_241 = arith.constant 8 : i32
      %lt3A_242 = arith.constant 15 : i32
      %lt3A_243 = arith.cmpi slt, %scan3A_69, %lt3A_242 : i32
      %convert_element_type3A_244 = arith.extui %lt3A_243 : i1 to i32
      %cond3A_245 = arith.constant 0 : i32
      %cond3A_246 = arith.cmpi ne, %convert_element_type3A_244, %cond3A_245 : i32
      scf.if %cond3A_246 {
        %add3A_256 = arith.constant 4 : i32
        %add3A_257 = arith.addi %add3A_219, %add3A_256 : i32
        %mul3A_258 = arith.constant 1600 : i32
        %mul3A_259 = arith.muli %add3A_257, %mul3A_258 : i32
        %dma_start3A_260 = tpu.memref_slice %arg3[%add3A, %mul3A_259] : memref<32x102400xi32, #tpu.memory_space<hbm>> -> memref<1x1600xi32, #tpu.memory_space<hbm>>
        %dma_start3A_261 = tpu.memref_squeeze %dma_start3A_260 : memref<1x1600xi32, #tpu.memory_space<hbm>> -> memref<1600xi32, #tpu.memory_space<hbm>>
        %dma_start3A_262 = tpu.memref_slice %arg3[%add3A, %mul3A_259] : memref<32x102400xi32, #tpu.memory_space<hbm>> -> memref<1x1600xi32, #tpu.memory_space<hbm>>
        %dma_start3A_263 = tpu.memref_squeeze %dma_start3A_262 : memref<1x1600xi32, #tpu.memory_space<hbm>> -> memref<1600xi32, #tpu.memory_space<hbm>>
        tpu.enqueue_dma source(%dma_start3A_263 : memref<1600xi32, #tpu.memory_space<hbm>>) target(%arg8 : memref<1600xi32, #tpu.memory_space<vmem>>) target_semaphore(%arg24 : memref<!tpu.dma_semaphore, #tpu.memory_space<semaphore_mem>>)
      } else {
      }
      %mul3A_247 = arith.constant 8 : i32
      %mul3A_248 = arith.muli %add3A_219, %mul3A_247 : i32
      %add3A_249 = arith.addi %mul3A_2, %mul3A_248 : i32
      %dma_start3A_250 = arith.constant 0 : i32
      %dma_start3A_251 = arith.constant 0 : i32
      %dma_start3A_252 = tpu.memref_slice %arg4[%add3A_249, %dma_start3A_250, %dma_start3A_251] : memref<16384x200x4xf32, #tpu.memory_space<hbm>> -> memref<8x200x4xf32, #tpu.memory_space<hbm>>
      %dma_start3A_253 = arith.constant 0 : i32
      %dma_start3A_254 = arith.constant 0 : i32
      %dma_start3A_255 = tpu.memref_slice %arg4[%add3A_249, %dma_start3A_253, %dma_start3A_254] : memref<16384x200x4xf32, #tpu.memory_space<hbm>> -> memref<8x200x4xf32, #tpu.memory_space<hbm>>
      tpu.enqueue_dma source(%arg20 : memref<8x200x4xf32, #tpu.memory_space<vmem>>) target(%dma_start3A_255 : memref<8x200x4xf32, #tpu.memory_space<hbm>>) target_semaphore(%arg32 : memref<!tpu.dma_semaphore, #tpu.memory_space<semaphore_mem>>)
    }
    %scan3A_37 = arith.constant 16 : i32
    %add3A_38 = arith.constant 0 : i32
    %add3A_39 = arith.addi %mul3A_2, %add3A_38 : i32
    %dma_wait3A = arith.constant 0 : i32
    %dma_wait3A_40 = arith.constant 0 : i32
    %dma_wait3A_41 = tpu.memref_slice %arg4[%add3A_39, %dma_wait3A, %dma_wait3A_40] : memref<16384x200x4xf32, #tpu.memory_space<hbm>> -> memref<8x200x4xf32, #tpu.memory_space<hbm>>
    %dma_wait3A_42 = arith.constant 0 : i32
    %dma_wait3A_43 = arith.constant 0 : i32
    %dma_wait3A_44 = tpu.memref_slice %arg4[%add3A_39, %dma_wait3A_42, %dma_wait3A_43] : memref<16384x200x4xf32, #tpu.memory_space<hbm>> -> memref<8x200x4xf32, #tpu.memory_space<hbm>>
    tpu.wait_dma2 semaphore(%arg29 : memref<!tpu.dma_semaphore, #tpu.memory_space<semaphore_mem>>) src(%arg17 : memref<8x200x4xf32, #tpu.memory_space<vmem>>) dst(%dma_wait3A_44 : memref<8x200x4xf32, #tpu.memory_space<hbm>>)
    %add3A_45 = arith.constant 0 : i32
    %add3A_46 = arith.addi %mul3A_2, %add3A_45 : i32
    %dma_wait3A_47 = arith.constant 0 : i32
    %dma_wait3A_48 = arith.constant 0 : i32
    %dma_wait3A_49 = tpu.memref_slice %arg4[%add3A_46, %dma_wait3A_47, %dma_wait3A_48] : memref<16384x200x4xf32, #tpu.memory_space<hbm>> -> memref<8x200x4xf32, #tpu.memory_space<hbm>>
    %dma_wait3A_50 = arith.constant 0 : i32
    %dma_wait3A_51 = arith.constant 0 : i32
    %dma_wait3A_52 = tpu.memref_slice %arg4[%add3A_46, %dma_wait3A_50, %dma_wait3A_51] : memref<16384x200x4xf32, #tpu.memory_space<hbm>> -> memref<8x200x4xf32, #tpu.memory_space<hbm>>
    tpu.wait_dma2 semaphore(%arg30 : memref<!tpu.dma_semaphore, #tpu.memory_space<semaphore_mem>>) src(%arg18 : memref<8x200x4xf32, #tpu.memory_space<vmem>>) dst(%dma_wait3A_52 : memref<8x200x4xf32, #tpu.memory_space<hbm>>)
    %add3A_53 = arith.constant 0 : i32
    %add3A_54 = arith.addi %mul3A_2, %add3A_53 : i32
    %dma_wait3A_55 = arith.constant 0 : i32
    %dma_wait3A_56 = arith.constant 0 : i32
    %dma_wait3A_57 = tpu.memref_slice %arg4[%add3A_54, %dma_wait3A_55, %dma_wait3A_56] : memref<16384x200x4xf32, #tpu.memory_space<hbm>> -> memref<8x200x4xf32, #tpu.memory_space<hbm>>
    %dma_wait3A_58 = arith.constant 0 : i32
    %dma_wait3A_59 = arith.constant 0 : i32
    %dma_wait3A_60 = tpu.memref_slice %arg4[%add3A_54, %dma_wait3A_58, %dma_wait3A_59] : memref<16384x200x4xf32, #tpu.memory_space<hbm>> -> memref<8x200x4xf32, #tpu.memory_space<hbm>>
    tpu.wait_dma2 semaphore(%arg31 : memref<!tpu.dma_semaphore, #tpu.memory_space<semaphore_mem>>) src(%arg19 : memref<8x200x4xf32, #tpu.memory_space<vmem>>) dst(%dma_wait3A_60 : memref<8x200x4xf32, #tpu.memory_space<hbm>>)
    %add3A_61 = arith.constant 0 : i32
    %add3A_62 = arith.addi %mul3A_2, %add3A_61 : i32
    %dma_wait3A_63 = arith.constant 0 : i32
    %dma_wait3A_64 = arith.constant 0 : i32
    %dma_wait3A_65 = tpu.memref_slice %arg4[%add3A_62, %dma_wait3A_63, %dma_wait3A_64] : memref<16384x200x4xf32, #tpu.memory_space<hbm>> -> memref<8x200x4xf32, #tpu.memory_space<hbm>>
    %dma_wait3A_66 = arith.constant 0 : i32
    %dma_wait3A_67 = arith.constant 0 : i32
    %dma_wait3A_68 = tpu.memref_slice %arg4[%add3A_62, %dma_wait3A_66, %dma_wait3A_67] : memref<16384x200x4xf32, #tpu.memory_space<hbm>> -> memref<8x200x4xf32, #tpu.memory_space<hbm>>
    tpu.wait_dma2 semaphore(%arg32 : memref<!tpu.dma_semaphore, #tpu.memory_space<semaphore_mem>>) src(%arg20 : memref<8x200x4xf32, #tpu.memory_space<vmem>>) dst(%dma_wait3A_68 : memref<8x200x4xf32, #tpu.memory_space<hbm>>)
    return
  }
}

</mosaic_0001>

<sc_bundles>
// kernel: _embed_gather.3.cloned.1.call-start
scs
__scs_entry_jumppad:
0x0: {  	(pc) =	sbr.rel $0x88, $3  }
0x1: {  	(tag) =	ssettag $0x0;
	lr =	simm.s32 $0x1  }
0x2: {  	[smem:$0x3F9F] =	sst lr;
	_ =	strace $0xD0000000  }
0x3: {  	_ = 	snop  }
0x4: {  	_ = 	snop  }
0x5: {  	_ = 	snop  }
0x6: {  	_ = 	snop  }
0x7: {  	_ = 	snop  }
__scs_overlays_trampoline_lowered:
0x8: {  	[smem:$0x3FAE] =	sst s0  }
0x9: {  	[smem:$0x3FAF] =	sst s1  }
0xa: {  	[smem:$0x3FB0] =	sst s2  }
0xb: {  	[smem:$0x3FB1] =	sst s3  }
0xc: {  	[smem:$0x3FB2] =	sst s4  }
0xd: {  	[smem:$0x3FB3] =	sst s5  }
0xe: {  	[smem:$0x3FB4] =	sst s6  }
0xf: {  	[smem:$0x3FB5] =	sst s7  }
0x10: {  	[smem:$0x3FB6] =	sst s8  }
0x11: {  	[smem:$0x3FB7] =	sst s9;
	s0 =	simm.s32 @!p0 $0x0  }
0x12: {  	s1 =	sld [smem:$0x3F9D];
	s0 =	simm.s32 @p0 $0x1  }
0x13: {  	[smem:$0x3FB8] =	sst s0;
	s0 =	simm.s32 @!p1 $0x0  }
0x14: {  	s2 =	sld [smem:$0x3F9C];
	s0 =	simm.s32 @p1 $0x1  }
0x15: {  	[smem:$0x3FB9] =	sst s0;
	s0 =	simm.s32 @!p2 $0x0  }
0x16: {  	s3 =	sld [smem:$0x3FDB];
	s0 =	simm.s32 @p2 $0x1  }
0x17: {  	s4 =	simm.s32 $0x1BF5;
	[smem:$0x3FBB] =	sst s0  }
0x18: {  	s0 =	sld [smem:$0x3F9E];
	_ =	swait.ge [sflag:s4], $0x0  }
0x19: {  	s7 =	sld [smem:$0x3F9F]  }
0x1a: {  	s8 =	sadd.s32 $0xFFFFE003, lr  }
0x1b: {  	s9 =	sadd.s32 $0xFFFFFEF7, lr;
	s5 =	simm.s32 $0xFFFFFFFF;
	p2 =	slt.u32 s8, $0xFFFFF086  }
0x1c: {  	p1 =	slt.u32 s9, $0xF7A;
	s5 =	simm.s32 @!p2 $0x0  }
0x1d: {  	s5 =	simm.s32 @p1 $0x1;
	p0 =	seq.s32 s7, s2  }
0x1e: {  	s7 =	smul.u32 @!p0 $0xF7A, s2;
	p2 =	seq.s32 @!p0 s5, $0x0  }
0x1f: {  	s9 =	smul.u32 $0xF7A, s1;
	s8 =	simm.s32 @!p0 $0x1BF5;
	p2 =	por !p2, p0  }
0x20: {  	[sflag:s8] =	ssyncset.s32 @!p0 $0xFFFFF086;
	s6 =	sadd.s32 @!p0 s3, s7;
	s7 =	simm.s32 @!p0 $0x108  }
0x21: {  	s3 =	sadd.s32 s3, s9;
	s6 =	sadd.s32 @!p0 $0x88, s6;
	s7 =	simm.s32 @p2 $0x1082  }
0x22: {  	[simem:s7], [sflag:s8] =	dma.local @!p0 [hbm:s6], $0xF7A  }
0x23: {  	s9 =	sor.u32 $0xD0000000, s2;
	s6 =	simm.s32 $0x108;
	_ =	swait.ge @!p0 [sflag:s8], $0x0  }
0x24: {  	s3 =	sadd.s32 $0x88, s3;
	s6 =	simm.s32 @!p1 $0x1082;
	[sflag:s4] =	ssyncset.s32 $0xFFFFF086  }
0x25: {  	[simem:s6], [sflag:s4] =	dma.local [hbm:s3], $0xF7A  }
0x26: {  	[smem:$0x3F9F] =	sst s1;
	(tag) =	ssettag s2;
	_ =	strace s9  }
0x27: {  	s1 =	sld [smem:$0x3FAF]  }
0x28: {  	s2 =	sld [smem:$0x3FB0]  }
0x29: {  	s4 =	sld [smem:$0x3FB2]  }
0x2a: {  	p0 =	seq.s32 s5, $0x0;
	s5 =	sld [smem:$0x3FB3]  }
0x2b: {  	s6 =	sld [smem:$0x3FB4]  }
0x2c: {  	s7 =	sld [smem:$0x3FB5]  }
0x2d: {  	s3 =	simm.s32 $0x108;
	s8 =	sld [smem:$0x3FB6]  }
0x2e: {  	s3 =	simm.s32 @!p0 $0x1082;
	s9 =	sld [smem:$0x3FB7]  }
0x2f: {  	lr =	sadd.s32 s0, s3;
	s0 =	sld [smem:$0x3FAE]  }
0x30: {  	s3 =	sld [smem:$0x3FB1]  }
0x31: {  	[smem:$0x3FBA] =	sst s10  }
0x32: {  	s10 =	sld [smem:$0x3FB8];
	_ =	sdelay $0x3  }
0x33: {  	p0 =	seq.s32 s10, $0x1;
	s10 =	sld [smem:$0x3FBA];
	_ =	sdelay $0x3  }
0x34: {  	[smem:$0x3FBA] =	sst s10  }
0x35: {  	s10 =	sld [smem:$0x3FB9];
	_ =	sdelay $0x3  }
0x36: {  	p1 =	seq.s32 s10, $0x1;
	s10 =	sld [smem:$0x3FBA];
	_ =	sdelay $0x3  }
0x37: {  	[smem:$0x3FBA] =	sst s10  }
0x38: {  	s10 =	sld [smem:$0x3FBB]  }
0x39: {  	_ = 	snop;
	(pc) =	sbr.ind lr, $3  }
0x3a: {  	_ = 	snop  }
0x3b: {  	_ = 	snop  }
0x3c: {  	p2 =	seq.s32 s10, $0x1;
	s10 =	sld [smem:$0x3FBA]  }
0x3d: {  	_ =	shalt  }
0x3e: {  	_ =	shalt  }
0x3f: {  	_ =	shalt  }
0x40: {  	_ =	shalt  }
0x41: {  	_ =	shalt  }
0x42: {  	_ =	shalt  }
0x43: {  	_ =	shalt  }
0x44: {  	_ =	shalt  }
0x45: {  	_ =	shalt  }
0x46: {  	_ =	shalt  }
0x47: {  	_ =	shalt  }
0x48: {  	_ =	shalt  }
0x49: {  	_ =	shalt  }
0x4a: {  	_ =	shalt  }
0x4b: {  	_ =	shalt  }
0x4c: {  	_ =	shalt  }
0x4d: {  	_ =	shalt  }
0x4e: {  	_ =	shalt  }
0x4f: {  	_ =	shalt  }
0x50: {  	_ =	shalt  }
0x51: {  	_ =	shalt  }
0x52: {  	_ =	shalt  }
0x53: {  	_ =	shalt  }
0x54: {  	_ =	shalt  }
0x55: {  	_ =	shalt  }
0x56: {  	_ =	shalt  }
0x57: {  	_ =	shalt  }
0x58: {  	_ =	shalt  }
0x59: {  	_ =	shalt  }
0x5a: {  	_ =	shalt  }
0x5b: {  	_ =	shalt  }
0x5c: {  	_ =	shalt  }
0x5d: {  	_ =	shalt  }
0x5e: {  	_ =	shalt  }
0x5f: {  	_ =	shalt  }
0x60: {  	_ =	shalt  }
0x61: {  	_ =	shalt  }
0x62: {  	_ =	shalt  }
0x63: {  	_ =	shalt  }
0x64: {  	_ =	shalt  }
0x65: {  	_ =	shalt  }
0x66: {  	_ =	shalt  }
0x67: {  	_ =	shalt  }
0x68: {  	_ =	shalt  }
0x69: {  	_ =	shalt  }
0x6a: {  	_ =	shalt  }
0x6b: {  	_ =	shalt  }
0x6c: {  	_ =	shalt  }
0x6d: {  	_ =	shalt  }
0x6e: {  	_ =	shalt  }
0x6f: {  	_ =	shalt  }
0x70: {  	_ =	shalt  }
0x71: {  	_ =	shalt  }
0x72: {  	_ =	shalt  }
0x73: {  	_ =	shalt  }
0x74: {  	_ =	shalt  }
0x75: {  	_ =	shalt  }
0x76: {  	_ =	shalt  }
0x77: {  	_ =	shalt  }
0x78: {  	_ =	shalt  }
0x79: {  	_ =	shalt  }
0x7a: {  	_ =	shalt  }
0x7b: {  	_ =	shalt  }
0x7c: {  	_ =	shalt  }
0x7d: {  	_ =	shalt  }
0x7e: {  	_ =	shalt  }
0x7f: {  	_ =	shalt  }
0x80: {  	_ =	shalt  }
0x81: {  	_ =	shalt  }
0x82: {  	_ =	shalt  }
0x83: {  	_ =	shalt  }
0x84: {  	_ =	shalt  }
0x85: {  	_ =	shalt  }
0x86: {  	_ =	shalt  }
0x87: {  	_ =	shalt  }
.Lfunc_end0:
.L_simem_size_0:
called_computation.1_lowered:
.L_overlay_start_0:
0x88: {  	s2 =	sld [smem:$0x3FD9]  }
0x89: {  	s3 =	sld [smem:$0x3FFE];
	_ =	sdelay $0x1  }
0x8a: {  	s1 =	srdreg.scid  }
0x8b: {  	s0 =	sand.u32 $0x1, s1  }
0x8c: {  	s17 =	sshll.u32 s0, $0xA;
	s2 =	sadd.s32 s3, s2  }
0x8d: {  	s2 =	sadd.s32 s2, s17  }
0x8e: {  	[smem:$0x3FC6] =	sst s2  }
0x8f: {  	_ = 	snop  }
0x90: {  	s2 =	sld [smem:$0x3FD0];
	(tm) =	ssettm $0x1  }
0x91: {  	s18 =	sld [smem:$0x3FFB];
	_ =	sdelay $0x3  }
0x92: {  	_ =	strace s18  }
0x93: {  	s3 =	sld [smem:$0x3FFC];
	_ =	sdelay $0x3  }
0x94: {  	_ =	strace s3  }
0x95: {  	s3 =	sld [smem:$0x3FFD];
	_ =	sdelay $0x3  }
0x96: {  	_ =	strace s3  }
0x97: {  	_ =	strace $0x8FFFFFFF  }
0x98: {  	s19 =	sld [smem:$0x3FDB];
	_ =	sdelay $0x1  }
0x99: {  	s4 =	simm.s32 $_scs_section_size  }
0x9a: {  	s5 =	simm.s32 $_size__tile_overlayer_lowered;
	s6 =	simm.s32 $_tile_overlayer_lowered  }
0x9b: {  	s22 =	simm.s32 $0x1BFF;
	s21 =	sshll.u32 s6, $0x1;
	s3 =	sadd.s32 s4, s19  }
0x9c: {  	s7 =	simm.s32 $0x0;
	s20 =	sshll.u32 s5, $0x1;
	s5 =	sadd.s32 s21, s3  }
0x9d: {  	[timem:s7], [sflag:s22] =	dma.local [hbm:s5], s20  }
0x9e: {  	_ =	swait.ge [sflag:s22], s20  }
0x9f: {  	s4 =	ssub.s32 $0x0, s20;
	[sflag:s22] =	ssyncset.done $0x0  }
0xa0: {  	[sflag:s22] =	ssyncadd.s32 s4;
	_ =	sdelay $0x1  }
0xa1: {  	s23 =	simm.s32 $0x1B8B  }
0xa2: {  	_ =	swait.ge [sflag:s23], $0x1  }
0xa3: {  	[sflag:s23] =	ssyncset.done $0x0  }
0xa4: {  	s25 =	simm.s32 $0x1B8E;
	s24 =	sld [smem:$0x3FFE];
	[sflag:s23] =	ssyncadd.s32 $0xFFFFFFFF  }
0xa5: {  	s26 =	simm.s32 $execute0_lowered;
	[smem:$0x3FD2] =	sst s25  }
0xa6: {  	s5 =	sshll.u32 s26, $0x1;
	_ =	strace $0x80000046;
	[dreg:$0x1] =	wrdreg $0xFFFFFFFF  }
0xa7: {  	s28 =	simm.s32 $_size_execute0_lowered;
	s3 =	sadd.s32 s3, s5;
	[dreg:$0x0] =	wrdreg $0x0  }
0xa8: {  	s5 =	sshll.u32 s28, $0x1;
	[dreg:$0x2] =	wrdreg s3  }
0xa9: {  	[dreg:$0x3] =	wrdreg s5  }
0xaa: {  	[dreg:$0x4] =	wrdreg $0xC0  }
0xab: {  	_ =	task [dreg:s7], $0x5FFFF  }
0xac: {  	[dreg:$0x1] =	wrdreg $0xFFFFFFFF  }
0xad: {  	[dreg:$0x0] =	wrdreg $0x60  }
0xae: {  	[dreg:$0x2] =	wrdreg s2  }
0xaf: {  	[dreg:$0x3] =	wrdreg s24  }
0xb0: {  	[dreg:$0x4] =	wrdreg $0x9  }
0xb1: {  	_ =	task.clear_ibuf [dreg:s7], $0x5FFFF;
	_ =	strace $0x90000046  }
0xb2: {  	s29 =	simm.s32 $0x9;
	_ =	strace $0x80000048  }
0xb3: {  	_ =	swait.ge [sflag:s29], $0x1  }
0xb4: {  	[sflag:s29] =	ssyncadd.s32 $0xFFFFFFFF  }
0xb5: {  	_ =	strace $0x90000048  }
0xb6: {  	_ =	sfence  }
0xb7: {  	s30 =	sld [smem:$0x0];
	_ =	sdelay $0x2  }
0xb8: {  	s31 =	sshll.u32 s1, $0xD;
	s1 =	sshrl.u32 s1, $0x2  }
0xb9: {  	s3 =	sand.u32 $0x4000, s31;
	s1 =	sadd.s32 s1, s30  }
0xba: {  	s0 =	sor.u32 s3, s0;
	s1 =	sshll.u32 s1, $0x11  }
0xbb: {  	s0 =	sor.u32 s1, s0  }
0xbc: {  	s0 =	sadd.s32 $0x8F2B, s0  }
0xbd: {  	[sflag:s0] =	ssyncadd.remote.s32 $0x1  }
0xbe: {  	_ =	sfence.sel $0xFFFF  }
0xbf: {  	[dreg:$0x0] =	wrdreg $0xFFFFFFFF;
	(pc) =	sbr.abs _section_cstart, $3  }
0xc0: {  	[dreg:$0x1] =	wrdreg $0xFFFFFFFF  }
0xc1: {  	_ =	task.clear_ibuf [dreg:s7], $0x2FFFF;
	_ =	strace $0x9FFFFFFF  }
0xc2: {  	(tm) =	ssettm $0x7FFFFFFF  }
0xc3: {  	_ =	shalt  }
tec
execute0_lowered:
.L_overlay_start_1:
0x0: {  	(tag) =	ssettag $0x1  }
0x1: {  	s2 =	rddreg [dreg:$0x0];
	s0 =	srdreg.scid  }
0x2: {  	s3 =	stileid.u32;
	s1 =	rddreg [dreg:$0x1];
	s17 =	simm.s32 $0x640  }
0x3: {  	s19 =	simm.s32 $0x3200;
	s28 =	simm.s32 $0x3;
	s30 =	simm.s32 $0x9600  }
0x4: {  	s31 =	simm.s32 $0x6;
	s10 =	simm.s32 $0x7;
	s15 =	simm.s32 $0x15E00  }
0x5: {  	s16 =	simm.s32 $0xC;
	s0 =	sand.u32 $0x1, s0;
	s4 =	sshll.u32 s3, $0x1  }
0x6: {  	s18 =	simm.s32 $0x19000;
	s11 =	simm.s32 $0x0;
	s6 =	sor.u32 s0, s4  }
0x7: {  	s3 =	simm.s32 $0x0;
	s5 =	sadd.s32 $0x64800, s1;
	s8 =	smul.u32 $0x19000, s6  }
0x8: {  	[smem:$0x7FF] =	sst s3;
	s4 =	sadd.s32 $0x800, s1;
	s0 =	ssub.s32 $0x2, s0  }
0x9: {  	s1 =	simm.s32 $0x12C00;
	_ =	strace $0x80000047;
	s24 =	sadd.s32 $0x1900, s8  }
0xa: {  	s20 =	sshrl.u32 s0, $0x1;
	s25 =	sadd.s32 $0x1F40, s8;
	[dreg:$0x7] =	wrdreg s24  }
0xb: {  	s0 =	ssub.s32 s0, s20;
	s26 =	sadd.s32 $0x2580, s8;
	[dreg:$0x8] =	wrdreg s25  }
0xc: {  	s20 =	simm.s32 $0xC80;
	s29 =	sadd.s32 $0x2BC0, s8;
	[dreg:$0x9] =	wrdreg s26  }
0xd: {  	s7 =	sshrl.u32 s8, $0x3;
	s0 =	smax.u32 s0, $0x1;
	[dreg:$0xa] =	wrdreg s29  }
0xe: {  	s9 =	sadd.s32 s4, s7;
	s7 =	sshll.u32 s6, $0x9;
	[dreg:$0xb] =	wrdreg s0  }
0xf: {  	s24 =	simm.s32 $0x6400;
	s25 =	simm.s32 $0x5;
	s26 =	simm.s32 $0xFA00  }
0x10: {  	s0 =	simm.s32 $0x4;
	s21 =	sadd.s32 $0xC8, s9;
	[dreg:$0x3] =	wrdreg s9  }
0x11: {  	s6 =	simm.s32 $0x8;
	s22 =	sadd.s32 $0x190, s9;
	[dreg:$0x4] =	wrdreg s21  }
0x12: {  	v1 =	vlaneseq.u32;
	s23 =	sadd.s32 $0x258, s9;
	s9 =	simm.s32 $0xC800;
	[dreg:$0x5] =	wrdreg s22  }
0x13: {  	v0 =	vand.u32 $0x3, v1;
	v1 =	vshrl.u32 v1, $0x2;
	[dreg:$0x6] =	wrdreg s23;
	s21 =	simm.s32 $0x12C0;
	s22 =	simm.s32 $0x2  }
.LBB2_1:
0x14: {  	[dreg:$0xc] =	wrdreg s11  }
0x15: {  	s8 =	rddreg [dreg:$0x3];
	s29 =	simm.s32 $0xD  }
0x16: {  	[tilespmem:s3], [sflag:$0xD] =	stream.linear.gather [hbm4b:s8+s3], $0x640, $0x38;
	[tilespmem:$0x1C200] =	vst v63  }
0x17: {  	_ =	swait.ge [sflag:s29], $0x640  }
0x18: {  	[sflag:s29] =	ssyncset.done $0x0  }
0x19: {  	s8 =	simm.s32 $0x0;
	[sflag:s29] =	ssyncadd.s32 $0xFFFFF9C0  }
0x1a: {  	s11 =	simm.s32 $0x40;
	v2 =	vld [tilespmem:s8+$0x0]  }
.LBB2_2:
0x1b: {  	p0 =	sne.s32 s11, $0x18C0  }
.Ltmp0:
0x1c: {  	_ = 	snop;
	(pc) =	sbr.rel @p0 .LBB2_2-.Ltmp0, $3  }
0x1d: {  	_ =	sdelay $0x1  }
0x1e: {  	s12 =	sshra.s32 s11, $0x2;
	s11 =	sadd.s32 $0x40, s11;
	v3 =	vshra.s32 v2, $0x1  }
0x1f: {  	v2 =	vld [tilespmem:s12+$0x0];
	[tilespmem:s8+$0x1900] =	vst v3;
	s8 =	smov.u32 s12  }
0x20: {  	_ =	sdelay $0x3  }
0x21: {  	v2 =	vshra.s32 v2, $0x1  }
0x22: {  	s12 =	simm.s32 $0x1900;
	[tilespmem:s8+$0x1900] =	vst v2  }
0x23: {  	[tilespmem:s19], [sflag:$0x5] =	stream.indirect.gather [hbm4b:s2+s17], $0x8, s12, s17, $0xb8;
	[tilespmem:$0x1C200] =	vst v63  }
0x24: {  	s29 =	simm.s32 $0x0;
	s13 =	rddreg [dreg:$0x4]  }
0x25: {  	[tilespmem:s17], [sflag:$0x2] =	stream.linear.gather [hbm4b:s13+s29], $0x640, $0x38;
	[tilespmem:$0x1C200] =	vst v63  }
0x26: {  	s14 =	rddreg [dreg:$0x5]  }
0x27: {  	[tilespmem:s20], [sflag:$0x3] =	stream.linear.gather [hbm4b:s14+s29], $0x640, $0x38;
	[tilespmem:$0x1C200] =	vst v63  }
0x28: {  	s23 =	rddreg [dreg:$0x6]  }
0x29: {  	[tilespmem:s21], [sflag:$0x4] =	stream.linear.gather [hbm4b:s23+s29], $0x640, $0x38;
	[tilespmem:$0x1C200] =	vst v63  }
.LBB2_4:
0x2a: {  	_ =	swait.ge [sflag:s22], $0x640  }
0x2b: {  	[sflag:s22] =	ssyncset.done $0x0  }
0x2c: {  	s8 =	simm.s32 $0x0;
	[sflag:s22] =	ssyncadd.s32 $0xFFFFF9C0  }
0x2d: {  	s11 =	simm.s32 $0x40;
	v2 =	vld [tilespmem:s8+$0x640]  }
.LBB2_5:
0x2e: {  	p0 =	sne.s32 s11, $0x18C0  }
.Ltmp1:
0x2f: {  	_ = 	snop;
	(pc) =	sbr.rel @p0 .LBB2_5-.Ltmp1, $3  }
0x30: {  	_ =	sdelay $0x1  }
0x31: {  	s12 =	sshra.s32 s11, $0x2;
	s11 =	sadd.s32 $0x40, s11;
	v3 =	vshra.s32 v2, $0x1  }
0x32: {  	v2 =	vld [tilespmem:s12+$0x640];
	[tilespmem:s8+$0x1F40] =	vst v3;
	s8 =	smov.u32 s12  }
0x33: {  	_ =	sdelay $0x3  }
0x34: {  	v2 =	vshra.s32 v2, $0x1  }
0x35: {  	s23 =	simm.s32 $0x1F40;
	[tilespmem:s8+$0x1F40] =	vst v2  }
0x36: {  	[tilespmem:s24], [sflag:$0x6] =	stream.indirect.gather [hbm4b:s2+s17], $0x8, s23, s17, $0xb8;
	[tilespmem:$0x1C200] =	vst v63  }
0x37: {  	_ =	swait.ge [sflag:s25], $0x3200  }
0x38: {  	p1 =	seq.s32 s29, $0x0;
	[sflag:s25] =	ssyncset.done $0x0  }
0x39: {  	s11 =	simm.s32 @!p1 $0x9;
	[sflag:s25] =	ssyncadd.s32 $0xFFFFCE00  }
0x3a: {  	_ =	swait.ge @!p1 [sflag:s11], $0x3200  }
0x3b: {  	s12 =	simm.s32 $0x0;
	[sflag:s11] =	ssyncset.done @!p1 $0x0  }
0x3c: {  	s8 =	sshll.u32 s29, $0x5;
	[sflag:s11] =	ssyncadd.s32 @!p1 $0xFFFFCE00;
	s11 =	simm.s32 $0x0  }
.LBB2_7:
0x3d: {  	s13 =	smul.u32 $0xC8, s12;
	_ =	sdelay $0x1  }
0x3e: {  	v4 =	vor.u32 s11, v1;
	v2 =	vmov s13  }
0x3f: {  	v3 =	vadd.s32 v2, v4;
	_ =	sdelay $0x4  }
0x40: {  	v5 =	vld.idx.msk [tilespmem:v3+s3+$0x0], $0xffff;
	_ =	sdelay $0x4  }
0x41: {  	v5 =	vshll.u32 v5, $0x2  }
0x42: {  	v3 =	vshll.u32 v3, $0x3;
	v5 =	vand.u32 $0x4, v5  }
0x43: {  	v6 =	vmov s12;
	v3 =	vor.u32 v3, v5  }
0x44: {  	v5 =	vmul.u32 $0x640, v6;
	v6 =	vor.u32 v0, v3;
	_ =	sdelay $0x1  }
0x45: {  	v3 =	vbroadcast v5, $0x0;
	_ =	sdelay $0x1  }
0x46: {  	s23 =	simm.s32 $0x4;
	v7 =	vshll.u32 v4, $0x3;
	v3 =	vor.u32 v0, v3  }
0x47: {  	s13 =	simm.s32 $0x8;
	v4 =	vor.u32 s23, v1;
	v5 =	vld.idx.msk [tilespmem:v6+s19+$0x0], $0xffff;
	v6 =	vadd.s32 v3, v7  }
.LBB2_8:
0x48: {  	p0 =	sne.s32 s13, $0xC4;
	v7 =	vadd.s32 v2, v4;
	_ =	sdelay $0x3  }
0x49: {  	[tilespmem:v6+s26+$0x0] =	vst.idx.msk $0xffff, v5  }
0x4a: {  	v5 =	vld.idx.msk [tilespmem:v7+s3+$0x0], $0xffff;
	_ =	sdelay $0x5  }
0x4b: {  	v5 =	vshll.u32 v5, $0x2  }
0x4c: {  	v6 =	vshll.u32 v7, $0x3;
	v5 =	vand.u32 $0x4, v5  }
0x4d: {  	v5 =	vor.u32 v6, v5  }
0x4e: {  	v5 =	vor.u32 v0, v5;
	_ =	sdelay $0x1  }
.Ltmp2:
0x4f: {  	(pc) =	sbr.rel @p0 .LBB2_8-.Ltmp2, $3  }
0x50: {  	_ =	sdelay $0x1  }
0x51: {  	v6 =	vshll.u32 v4, $0x3;
	v5 =	vld.idx.msk [tilespmem:v5+s19+$0x0], $0xffff  }
0x52: {  	v4 =	vor.u32 s13, v1;
	s13 =	sadd.s32 $0x4, s13;
	v6 =	vadd.s32 v3, v6  }
0x53: {  	v2 =	vadd.s32 v2, v4;
	_ =	sdelay $0x3  }
0x54: {  	[tilespmem:v6+s26+$0x0] =	vst.idx.msk $0xffff, v5  }
0x55: {  	v5 =	vld.idx.msk [tilespmem:v2+s3+$0x0], $0xffff;
	_ =	sdelay $0x4  }
0x56: {  	v5 =	vshll.u32 v5, $0x2  }
0x57: {  	v2 =	vshll.u32 v2, $0x3;
	v5 =	vand.u32 $0x4, v5  }
0x58: {  	v2 =	vor.u32 v2, v5  }
0x59: {  	v2 =	vor.u32 v0, v2;
	_ =	sdelay $0x3  }
0x5a: {  	v63 =	vshll.u32 v4, $0x3;
	s12 =	sadd.s32 $0x1, s12  }
0x5b: {  	v3 =	vadd.s32 v3, v63;
	p0 =	sne.s32 s12, $0x8;
	v2 =	vld.idx.msk [tilespmem:v2+s19+$0x0], $0xffff  }
.Ltmp3:
0x5c: {  	_ = 	snop;
	(pc) =	sbr.rel @p0 .LBB2_7-.Ltmp3, $2  }
0x5d: {  	_ =	sdelay $0x2  }
0x5e: {  	[tilespmem:v3+s26+$0x0] =	vst.idx.msk $0xffff, v2  }
0x5f: {  	p0 =	seq.s32 s29, $0xF  }
0x60: {  	s23 =	smul.u32 @!p0 $0x1900, s29  }
0x61: {  	s11 =	rddreg [dreg:$0x7]  }
0x62: {  	s11 =	sadd.s32 @!p0 s23, s11  }
0x63: {  	s12 =	sadd.s32 s7, s8;
	s11 =	sshrl.u32 @!p0 s11, $0x3  }
0x64: {  	s13 =	simm.s32 @!p0 $0x0;
	s12 =	smul.u32 $0xC8, s12;
	s11 =	sadd.s32 @!p0 s4, s11  }
0x65: {  	[tilespmem:s13], [sflag:$0x1] =	stream.linear.gather @!p0 [hbm4b:s11+s13], $0x640, $0x38;
	[tilespmem:$0x1C200] =	vst v63  }
0x66: {  	s14 =	simm.s32 $0x0;
	s13 =	sadd.s32 s5, s12  }
0x67: {  	[hbm4b:s13+s14] =	stream.linear.scatter [tilespmem:s26], [sflag:$0x9], $0x3200, $0x38;
	[tilespmem:$0x1C200] =	vst v63  }
0x68: {  	_ =	swait.ge [sflag:s28], $0x640  }
0x69: {  	[sflag:s28] =	ssyncset.done $0x0  }
0x6a: {  	s11 =	simm.s32 $0x0;
	[sflag:s28] =	ssyncadd.s32 $0xFFFFF9C0  }
0x6b: {  	s12 =	simm.s32 $0x40;
	v2 =	vld [tilespmem:s11+$0xC80]  }
.LBB2_11:
0x6c: {  	p2 =	sne.s32 s12, $0x18C0  }
.Ltmp4:
0x6d: {  	_ = 	snop;
	(pc) =	sbr.rel @p2 .LBB2_11-.Ltmp4, $3  }
0x6e: {  	_ =	sdelay $0x1  }
0x6f: {  	s13 =	sshra.s32 s12, $0x2;
	s12 =	sadd.s32 $0x40, s12;
	v3 =	vshra.s32 v2, $0x1  }
0x70: {  	v2 =	vld [tilespmem:s13+$0xC80];
	[tilespmem:s11+$0x2580] =	vst v3;
	s11 =	smov.u32 s13  }
0x71: {  	_ =	sdelay $0x3  }
0x72: {  	v2 =	vshra.s32 v2, $0x1  }
0x73: {  	s14 =	simm.s32 $0x2580;
	[tilespmem:s11+$0x2580] =	vst v2  }
0x74: {  	[tilespmem:s30], [sflag:$0x7] =	stream.indirect.gather [hbm4b:s2+s17], $0x8, s14, s17, $0xb8;
	[tilespmem:$0x1C200] =	vst v63  }
0x75: {  	_ =	swait.ge [sflag:s31], $0x3200  }
0x76: {  	[sflag:s31] =	ssyncset.done $0x0  }
0x77: {  	s11 =	simm.s32 @!p1 $0xA;
	[sflag:s31] =	ssyncadd.s32 $0xFFFFCE00  }
0x78: {  	_ =	swait.ge @!p1 [sflag:s11], $0x3200  }
0x79: {  	[sflag:s11] =	ssyncset.done @!p1 $0x0  }
0x7a: {  	s12 =	simm.s32 $0x0;
	[sflag:s11] =	ssyncadd.s32 @!p1 $0xFFFFCE00;
	s11 =	simm.s32 $0x0  }
.LBB2_13:
0x7b: {  	s13 =	smul.u32 $0xC8, s12;
	_ =	sdelay $0x1  }
0x7c: {  	v4 =	vor.u32 s11, v1;
	v2 =	vmov s13  }
0x7d: {  	v3 =	vadd.s32 v2, v4;
	_ =	sdelay $0x4  }
0x7e: {  	v5 =	vld.idx.msk [tilespmem:v3+s17+$0x0], $0xffff;
	_ =	sdelay $0x4  }
0x7f: {  	v5 =	vshll.u32 v5, $0x2  }
0x80: {  	v3 =	vshll.u32 v3, $0x3;
	v5 =	vand.u32 $0x4, v5  }
0x81: {  	v6 =	vmov s12;
	v3 =	vor.u32 v3, v5  }
0x82: {  	v5 =	vmul.u32 $0x640, v6;
	v6 =	vor.u32 v0, v3;
	_ =	sdelay $0x1  }
0x83: {  	v3 =	vbroadcast v5, $0x0;
	_ =	sdelay $0x1  }
0x84: {  	s14 =	simm.s32 $0x4;
	v7 =	vshll.u32 v4, $0x3;
	v3 =	vor.u32 v0, v3  }
0x85: {  	s13 =	simm.s32 $0x8;
	v4 =	vor.u32 s14, v1;
	v5 =	vld.idx.msk [tilespmem:v6+s24+$0x0], $0xffff;
	v6 =	vadd.s32 v3, v7  }
.LBB2_14:
0x86: {  	p2 =	sne.s32 s13, $0xC4;
	v7 =	vadd.s32 v2, v4;
	_ =	sdelay $0x3  }
0x87: {  	[tilespmem:v6+s1+$0x0] =	vst.idx.msk $0xffff, v5  }
0x88: {  	v5 =	vld.idx.msk [tilespmem:v7+s17+$0x0], $0xffff;
	_ =	sdelay $0x5  }
0x89: {  	v5 =	vshll.u32 v5, $0x2  }
0x8a: {  	v6 =	vshll.u32 v7, $0x3;
	v5 =	vand.u32 $0x4, v5  }
0x8b: {  	v5 =	vor.u32 v6, v5  }
0x8c: {  	v5 =	vor.u32 v0, v5;
	_ =	sdelay $0x1  }
.Ltmp5:
0x8d: {  	(pc) =	sbr.rel @p2 .LBB2_14-.Ltmp5, $3  }
0x8e: {  	_ =	sdelay $0x1  }
0x8f: {  	v6 =	vshll.u32 v4, $0x3;
	v5 =	vld.idx.msk [tilespmem:v5+s24+$0x0], $0xffff  }
0x90: {  	v4 =	vor.u32 s13, v1;
	s13 =	sadd.s32 $0x4, s13;
	v6 =	vadd.s32 v3, v6  }
0x91: {  	v2 =	vadd.s32 v2, v4;
	_ =	sdelay $0x3  }
0x92: {  	[tilespmem:v6+s1+$0x0] =	vst.idx.msk $0xffff, v5  }
0x93: {  	v5 =	vld.idx.msk [tilespmem:v2+s17+$0x0], $0xffff;
	_ =	sdelay $0x4  }
0x94: {  	v5 =	vshll.u32 v5, $0x2  }
0x95: {  	v2 =	vshll.u32 v2, $0x3;
	v5 =	vand.u32 $0x4, v5  }
0x96: {  	v2 =	vor.u32 v2, v5  }
0x97: {  	v2 =	vor.u32 v0, v2;
	_ =	sdelay $0x3  }
0x98: {  	v63 =	vshll.u32 v4, $0x3;
	s12 =	sadd.s32 $0x1, s12  }
0x99: {  	v3 =	vadd.s32 v3, v63;
	p2 =	sne.s32 s12, $0x8;
	v2 =	vld.idx.msk [tilespmem:v2+s24+$0x0], $0xffff  }
.Ltmp6:
0x9a: {  	_ = 	snop;
	(pc) =	sbr.rel @p2 .LBB2_13-.Ltmp6, $2  }
0x9b: {  	_ =	sdelay $0x2  }
0x9c: {  	[tilespmem:v3+s1+$0x0] =	vst.idx.msk $0xffff, v2  }
0x9d: {  	s11 =	rddreg [dreg:$0x8]  }
0x9e: {  	s11 =	sadd.s32 @!p0 s23, s11  }
0x9f: {  	s12 =	sadd.s32 s8, s7;
	s13 =	simm.s32 @!p0 $0x0;
	s11 =	sshrl.u32 @!p0 s11, $0x3  }
0xa0: {  	s14 =	simm.s32 @!p0 $0x640;
	s12 =	smul.u32 $0xC8, s12;
	s11 =	sadd.s32 @!p0 s4, s11  }
0xa1: {  	[tilespmem:s14], [sflag:$0x2] =	stream.linear.gather @!p0 [hbm4b:s11+s13], $0x640, $0x38;
	[tilespmem:$0x1C200] =	vst v63  }
0xa2: {  	s11 =	sadd.s32 s5, s12  }
0xa3: {  	s14 =	simm.s32 $0x0;
	s12 =	sadd.s32 $0x640, s11  }
0xa4: {  	[hbm4b:s12+s14] =	stream.linear.scatter [tilespmem:s1], [sflag:$0xA], $0x3200, $0x38;
	[tilespmem:$0x1C200] =	vst v63  }
0xa5: {  	_ =	swait.ge [sflag:s0], $0x640  }
0xa6: {  	[sflag:s0] =	ssyncset.done $0x0  }
0xa7: {  	s12 =	simm.s32 $0x0;
	[sflag:s0] =	ssyncadd.s32 $0xFFFFF9C0  }
0xa8: {  	s13 =	simm.s32 $0x40;
	v2 =	vld [tilespmem:s12+$0x12C0]  }
.LBB2_17:
0xa9: {  	p2 =	sne.s32 s13, $0x18C0  }
.Ltmp7:
0xaa: {  	_ = 	snop;
	(pc) =	sbr.rel @p2 .LBB2_17-.Ltmp7, $3  }
0xab: {  	_ =	sdelay $0x1  }
0xac: {  	s14 =	sshra.s32 s13, $0x2;
	s13 =	sadd.s32 $0x40, s13;
	v3 =	vshra.s32 v2, $0x1  }
0xad: {  	v2 =	vld [tilespmem:s14+$0x12C0];
	[tilespmem:s12+$0x2BC0] =	vst v3;
	s12 =	smov.u32 s14  }
0xae: {  	_ =	sdelay $0x3  }
0xaf: {  	v2 =	vshra.s32 v2, $0x1  }
0xb0: {  	s14 =	simm.s32 $0x2BC0;
	[tilespmem:s12+$0x2BC0] =	vst v2  }
0xb1: {  	[tilespmem:s9], [sflag:$0x8] =	stream.indirect.gather [hbm4b:s2+s17], $0x8, s14, s17, $0xb8;
	[tilespmem:$0x1C200] =	vst v63  }
0xb2: {  	_ =	swait.ge [sflag:s10], $0x3200  }
0xb3: {  	[sflag:s10] =	ssyncset.done $0x0  }
0xb4: {  	s12 =	simm.s32 @!p1 $0xB;
	[sflag:s10] =	ssyncadd.s32 $0xFFFFCE00  }
0xb5: {  	_ =	swait.ge @!p1 [sflag:s12], $0x3200  }
0xb6: {  	[sflag:s12] =	ssyncset.done @!p1 $0x0  }
0xb7: {  	s13 =	simm.s32 $0x0;
	[sflag:s12] =	ssyncadd.s32 @!p1 $0xFFFFCE00;
	s12 =	simm.s32 $0x0  }
.LBB2_19:
0xb8: {  	s14 =	smul.u32 $0xC8, s13;
	_ =	sdelay $0x1  }
0xb9: {  	v4 =	vor.u32 s12, v1;
	v2 =	vmov s14  }
0xba: {  	v3 =	vadd.s32 v2, v4;
	_ =	sdelay $0x4  }
0xbb: {  	v5 =	vld.idx.msk [tilespmem:v3+s20+$0x0], $0xffff;
	_ =	sdelay $0x4  }
0xbc: {  	v5 =	vshll.u32 v5, $0x2  }
0xbd: {  	v3 =	vshll.u32 v3, $0x3;
	v5 =	vand.u32 $0x4, v5  }
0xbe: {  	v6 =	vmov s13;
	v3 =	vor.u32 v3, v5  }
0xbf: {  	v5 =	vmul.u32 $0x640, v6;
	v6 =	vor.u32 v0, v3;
	_ =	sdelay $0x1  }
0xc0: {  	v3 =	vbroadcast v5, $0x0;
	_ =	sdelay $0x1  }
0xc1: {  	v7 =	vshll.u32 v4, $0x3;
	s14 =	simm.s32 $0x4;
	v3 =	vor.u32 v0, v3  }
0xc2: {  	v4 =	vor.u32 s14, v1;
	s14 =	simm.s32 $0x8;
	v5 =	vld.idx.msk [tilespmem:v6+s30+$0x0], $0xffff;
	v6 =	vadd.s32 v3, v7  }
.LBB2_20:
0xc3: {  	p2 =	sne.s32 s14, $0xC4;
	v7 =	vadd.s32 v2, v4;
	_ =	sdelay $0x3  }
0xc4: {  	[tilespmem:v6+s15+$0x0] =	vst.idx.msk $0xffff, v5  }
0xc5: {  	v5 =	vld.idx.msk [tilespmem:v7+s20+$0x0], $0xffff;
	_ =	sdelay $0x5  }
0xc6: {  	v5 =	vshll.u32 v5, $0x2  }
0xc7: {  	v6 =	vshll.u32 v7, $0x3;
	v5 =	vand.u32 $0x4, v5  }
0xc8: {  	v5 =	vor.u32 v6, v5  }
0xc9: {  	v5 =	vor.u32 v0, v5;
	_ =	sdelay $0x1  }
.Ltmp8:
0xca: {  	(pc) =	sbr.rel @p2 .LBB2_20-.Ltmp8, $3  }
0xcb: {  	_ =	sdelay $0x1  }
0xcc: {  	v6 =	vshll.u32 v4, $0x3;
	v5 =	vld.idx.msk [tilespmem:v5+s30+$0x0], $0xffff  }
0xcd: {  	v4 =	vor.u32 s14, v1;
	s14 =	sadd.s32 $0x4, s14;
	v6 =	vadd.s32 v3, v6  }
0xce: {  	v2 =	vadd.s32 v2, v4;
	_ =	sdelay $0x3  }
0xcf: {  	[tilespmem:v6+s15+$0x0] =	vst.idx.msk $0xffff, v5  }
0xd0: {  	v5 =	vld.idx.msk [tilespmem:v2+s20+$0x0], $0xffff;
	_ =	sdelay $0x4  }
0xd1: {  	v5 =	vshll.u32 v5, $0x2  }
0xd2: {  	v2 =	vshll.u32 v2, $0x3;
	v5 =	vand.u32 $0x4, v5  }
0xd3: {  	v2 =	vor.u32 v2, v5  }
0xd4: {  	v2 =	vor.u32 v0, v2;
	_ =	sdelay $0x3  }
0xd5: {  	v63 =	vshll.u32 v4, $0x3;
	s13 =	sadd.s32 $0x1, s13  }
0xd6: {  	v3 =	vadd.s32 v3, v63;
	p2 =	sne.s32 s13, $0x8;
	v2 =	vld.idx.msk [tilespmem:v2+s30+$0x0], $0xffff  }
.Ltmp9:
0xd7: {  	_ = 	snop;
	(pc) =	sbr.rel @p2 .LBB2_19-.Ltmp9, $2  }
0xd8: {  	_ =	sdelay $0x2  }
0xd9: {  	[tilespmem:v3+s15+$0x0] =	vst.idx.msk $0xffff, v2  }
0xda: {  	s12 =	rddreg [dreg:$0x9]  }
0xdb: {  	p2 =	sne.s32 s29, $0xF;
	s12 =	sadd.s32 @!p0 s23, s12  }
.Ltmp10:
0xdc: {  	s12 =	sshrl.u32 @!p0 s12, $0x3;
	(pc) =	sbr.rel @p2 .LBB2_24-.Ltmp10, $4  }
0xdd: {  	s13 =	simm.s32 @!p0 $0x0;
	s14 =	simm.s32 @!p0 $0xC80;
	s12 =	sadd.s32 @!p0 s4, s12  }
0xde: {  	[tilespmem:s14], [sflag:$0x3] =	stream.linear.gather @!p0 [hbm4b:s12+s13], $0x640, $0x38;
	[tilespmem:$0x1C200] =	vst v63  }
0xdf: {  	s11 =	sadd.s32 $0xC80, s11  }
0xe0: {  	[hbm4b:s11+s3] =	stream.linear.scatter [tilespmem:s15], [sflag:$0xB], $0x3200, $0x38;
	[tilespmem:$0x1C200] =	vst v63  }
.Ltmp11:
0xe1: {  	(pc) =	sbr.rel .LBB2_27-.Ltmp11, $4  }
0xe2: {  	_ = 	snop  }
0xe3: {  	_ =	swait.ge [sflag:s6], $0x3200  }
0xe4: {  	[sflag:s6] =	ssyncset.done $0x0  }
0xe5: {  	[sflag:s6] =	ssyncadd.s32 $0xFFFFCE00  }
.LBB2_24:
0xe6: {  	s11 =	simm.s32 $0x1  }
0xe7: {  	_ =	swait.ge [sflag:s11], $0x640  }
0xe8: {  	[sflag:s11] =	ssyncset.done $0x0  }
0xe9: {  	[sflag:s11] =	ssyncadd.s32 $0xFFFFF9C0;
	s11 =	simm.s32 $0x0  }
0xea: {  	s12 =	simm.s32 $0x40;
	v2 =	vld [tilespmem:s11+$0x0]  }
.LBB2_25:
0xeb: {  	p2 =	sne.s32 s12, $0x18C0  }
.Ltmp12:
0xec: {  	_ = 	snop;
	(pc) =	sbr.rel @p2 .LBB2_25-.Ltmp12, $3  }
0xed: {  	_ =	sdelay $0x1  }
0xee: {  	s13 =	sshra.s32 s12, $0x2;
	s12 =	sadd.s32 $0x40, s12;
	v3 =	vshra.s32 v2, $0x1  }
0xef: {  	v2 =	vld [tilespmem:s13+$0x0];
	[tilespmem:s11+$0x1900] =	vst v3;
	s11 =	smov.u32 s13  }
0xf0: {  	_ =	sdelay $0x3  }
0xf1: {  	v2 =	vshra.s32 v2, $0x1  }
.Ltmp13:
0xf2: {  	s14 =	simm.s32 $0x1900;
	[tilespmem:s11+$0x1900] =	vst v2;
	(pc) =	sbr.rel @p1 .LBB2_28-.Ltmp13, $4  }
0xf3: {  	[tilespmem:s19], [sflag:$0x5] =	stream.indirect.gather [hbm4b:s2+s17], $0x8, s14, s17, $0xb8;
	[tilespmem:$0x1C200] =	vst v63  }
0xf4: {  	_ =	swait.ge [sflag:s6], $0x3200  }
0xf5: {  	[sflag:s6] =	ssyncset.done $0x0  }
0xf6: {  	[sflag:s6] =	ssyncadd.s32 $0xFFFFCE00  }
.LBB2_27:
0xf7: {  	_ =	swait.ge [sflag:s16], $0x3200  }
0xf8: {  	[sflag:s16] =	ssyncset.done $0x0  }
0xf9: {  	[sflag:s16] =	ssyncadd.s32 $0xFFFFCE00  }
.LBB2_28:
0xfa: {  	s8 =	sor.u32 $0x18, s8;
	s11 =	simm.s32 $0x0;
	s12 =	simm.s32 $0x0  }
.LBB2_29:
0xfb: {  	s13 =	smul.u32 $0xC8, s12;
	_ =	sdelay $0x1  }
0xfc: {  	v4 =	vor.u32 s11, v1;
	v2 =	vmov s13  }
0xfd: {  	v3 =	vadd.s32 v2, v4;
	_ =	sdelay $0x4  }
0xfe: {  	v5 =	vld.idx.msk [tilespmem:v3+s21+$0x0], $0xffff;
	_ =	sdelay $0x4  }
0xff: {  	v5 =	vshll.u32 v5, $0x2  }
0x100: {  	v3 =	vshll.u32 v3, $0x3;
	v5 =	vand.u32 $0x4, v5  }
0x101: {  	v6 =	vmov s12;
	v3 =	vor.u32 v3, v5  }
0x102: {  	v5 =	vmul.u32 $0x640, v6;
	v6 =	vor.u32 v0, v3;
	_ =	sdelay $0x1  }
0x103: {  	v3 =	vbroadcast v5, $0x0;
	_ =	sdelay $0x1  }
0x104: {  	s14 =	simm.s32 $0x4;
	v7 =	vshll.u32 v4, $0x3;
	v3 =	vor.u32 v0, v3  }
0x105: {  	s13 =	simm.s32 $0x8;
	v4 =	vor.u32 s14, v1;
	v5 =	vld.idx.msk [tilespmem:v6+s9+$0x0], $0xffff;
	v6 =	vadd.s32 v3, v7  }
.LBB2_30:
0x106: {  	p1 =	sne.s32 s13, $0xC4;
	v7 =	vadd.s32 v2, v4;
	_ =	sdelay $0x3  }
0x107: {  	[tilespmem:v6+s18+$0x0] =	vst.idx.msk $0xffff, v5  }
0x108: {  	v5 =	vld.idx.msk [tilespmem:v7+s21+$0x0], $0xffff;
	_ =	sdelay $0x5  }
0x109: {  	v5 =	vshll.u32 v5, $0x2  }
0x10a: {  	v6 =	vshll.u32 v7, $0x3;
	v5 =	vand.u32 $0x4, v5  }
0x10b: {  	v5 =	vor.u32 v6, v5  }
0x10c: {  	v5 =	vor.u32 v0, v5;
	_ =	sdelay $0x1  }
.Ltmp14:
0x10d: {  	(pc) =	sbr.rel @p1 .LBB2_30-.Ltmp14, $3  }
0x10e: {  	_ =	sdelay $0x1  }
0x10f: {  	v6 =	vshll.u32 v4, $0x3;
	v5 =	vld.idx.msk [tilespmem:v5+s9+$0x0], $0xffff  }
0x110: {  	v4 =	vor.u32 s13, v1;
	s13 =	sadd.s32 $0x4, s13;
	v6 =	vadd.s32 v3, v6  }
0x111: {  	v2 =	vadd.s32 v2, v4;
	_ =	sdelay $0x3  }
0x112: {  	[tilespmem:v6+s18+$0x0] =	vst.idx.msk $0xffff, v5  }
0x113: {  	v5 =	vld.idx.msk [tilespmem:v2+s21+$0x0], $0xffff;
	_ =	sdelay $0x4  }
0x114: {  	v5 =	vshll.u32 v5, $0x2  }
0x115: {  	v2 =	vshll.u32 v2, $0x3;
	v5 =	vand.u32 $0x4, v5  }
0x116: {  	v2 =	vor.u32 v2, v5  }
0x117: {  	v2 =	vor.u32 v0, v2;
	_ =	sdelay $0x3  }
0x118: {  	v63 =	vshll.u32 v4, $0x3;
	s12 =	sadd.s32 $0x1, s12  }
0x119: {  	v3 =	vadd.s32 v3, v63;
	p1 =	sne.s32 s12, $0x8;
	v2 =	vld.idx.msk [tilespmem:v2+s9+$0x0], $0xffff  }
.Ltmp15:
0x11a: {  	_ = 	snop;
	(pc) =	sbr.rel @p1 .LBB2_29-.Ltmp15, $2  }
0x11b: {  	_ =	sdelay $0x2  }
0x11c: {  	[tilespmem:v3+s18+$0x0] =	vst.idx.msk $0xffff, v2  }
0x11d: {  	s11 =	rddreg [dreg:$0xa]  }
0x11e: {  	s11 =	sadd.s32 @!p0 s23, s11  }
0x11f: {  	s12 =	simm.s32 @!p0 $0x0;
	s11 =	sshrl.u32 @!p0 s11, $0x3  }
0x120: {  	s13 =	simm.s32 @!p0 $0x12C0;
	s29 =	sadd.s32 $0x1, s29;
	s11 =	sadd.s32 @!p0 s4, s11  }
0x121: {  	[tilespmem:s13], [sflag:$0x4] =	stream.linear.gather @!p0 [hbm4b:s11+s12], $0x640, $0x38;
	[tilespmem:$0x1C200] =	vst v63  }
0x122: {  	p0 =	sne.s32 s29, $0x10  }
.Ltmp16:
0x123: {  	s8 =	sadd.s32 s7, s8;
	(pc) =	sbr.rel @p0 .LBB2_4-.Ltmp16, $3  }
0x124: {  	s8 =	smul.u32 $0xC8, s8;
	_ =	sdelay $0x1  }
0x125: {  	s8 =	sadd.s32 s5, s8  }
0x126: {  	[hbm4b:s8+s3] =	stream.linear.scatter [tilespmem:s18], [sflag:$0xC], $0x3200, $0x38;
	[tilespmem:$0x1C200] =	vst v63  }
0x127: {  	s8 =	simm.s32 $0x9  }
0x128: {  	_ =	swait.ge [sflag:s8], $0x3200  }
0x129: {  	[sflag:s8] =	ssyncset.done $0x0  }
0x12a: {  	s14 =	simm.s32 $0xA;
	[sflag:s8] =	ssyncadd.s32 $0xFFFFCE00  }
0x12b: {  	_ =	swait.ge [sflag:s14], $0x3200  }
0x12c: {  	[sflag:s14] =	ssyncset.done $0x0  }
0x12d: {  	s23 =	simm.s32 $0xB;
	[sflag:s14] =	ssyncadd.s32 $0xFFFFCE00  }
0x12e: {  	_ =	swait.ge [sflag:s23], $0x3200  }
0x12f: {  	[sflag:s23] =	ssyncset.done $0x0  }
0x130: {  	[sflag:s23] =	ssyncadd.s32 $0xFFFFCE00  }
0x131: {  	_ =	swait.ge [sflag:s16], $0x3200  }
0x132: {  	s11 =	rddreg [dreg:$0xc]  }
0x133: {  	s29 =	rddreg [dreg:$0xb];
	s11 =	sadd.s32 $0x1, s11  }
0x134: {  	p0 =	sne.s32 s11, s29  }
.Ltmp17:
0x135: {  	_ = 	snop;
	(pc) =	sbr.rel @p0 .LBB2_1-.Ltmp17, $3  }
0x136: {  	_ =	sdelay $0x1  }
0x137: {  	[sflag:s16] =	ssyncset.done $0x0  }
0x138: {  	[sflag:s16] =	ssyncadd.s32 $0xFFFFCE00  }
0x139: {  	_ =	sfence.sel $0x180000  }
0x13a: {  	[bflag:$0x0] =	sbarrier.arrive $0xFFFF  }
0x13b: {  	_ =	strace $0x90000047  }
0x13c: {  	s0 =	stileid.u32;
	[bflag:$0x2] =	sbarrier.arrive $0xFFFF  }
0x13d: {  	p0 =	sne.s32 s0, $0x0;
	s0 =	rddreg [dreg:$0x2]  }
0x13e: {  	s0 =	sadd.s32 @!p0 $0x100000, s0  }
0x13f: {  	[sflag:s0] =	ssyncadd.tile.s32 @!p0 $0x1;
	_ =	shalt  }
.Lfunc_end2:
_tile_overlayer_lowered:
.L_overlay_start_2:
0x140: {  	(tag) =	ssettag $0x2  }
0x141: {  	s0 =	rddreg [dreg:$0x0];
	s2 =	stileid.u32  }
0x142: {  	s1 =	rddreg [dreg:$0x1];
	p0 =	sne.s32 s2, $0x0  }
0x143: {  	s3 =	rddreg [dreg:$0x2];
	[bflag:$0x3] =	sbarrier.arrive $0xFFFF;
	s2 =	simm.s32 @!p0 $0x1C0D  }
0x144: {  	[timem:s3], [sflag:s2] =	dma.local @!p0 [hbm:s0], s1  }
0x145: {  	s0 =	simm.s32 @!p0 $0xD  }
0x146: {  	_ =	swait.ge @!p0 [sflag:s0], s1  }
0x147: {  	s1 =	ssub.s32 @!p0 $0x0, s1;
	[sflag:s0] =	ssyncset.done @!p0 $0x0  }
0x148: {  	[sflag:s0] =	ssyncadd.s32 @!p0 s1  }
0x149: {  	[bflag:$0x3] =	sbarrier.arrive $0xFFFF  }
0x14a: {  	_ =	shalt  }

// kernel: sparse-core-data-format-call.cloned.1.call-start
scs
called_computation_lowered:
.L_overlay_start_0:
0x0: {  	s2 =	sld [smem:$0x3FD9]  }
0x1: {  	s3 =	sld [smem:$0x3FFE];
	_ =	sdelay $0x1  }
0x2: {  	s1 =	srdreg.scid  }
0x3: {  	s0 =	sand.u32 $0x1, s1  }
0x4: {  	s18 =	sshll.u32 s0, $0xA;
	s2 =	sadd.s32 s3, s2  }
0x5: {  	s2 =	sadd.s32 s2, s18  }
0x6: {  	[smem:$0x3FC6] =	sst s2  }
0x7: {  	_ = 	snop  }
0x8: {  	s2 =	sld [smem:$0x3FD0];
	(tm) =	ssettm $0x1  }
0x9: {  	s19 =	sld [smem:$0x3FFB];
	_ =	sdelay $0x3  }
0xa: {  	_ =	strace s19  }
0xb: {  	s3 =	sld [smem:$0x3FFC];
	_ =	sdelay $0x3  }
0xc: {  	_ =	strace s3  }
0xd: {  	s3 =	sld [smem:$0x3FFD];
	_ =	sdelay $0x3  }
0xe: {  	_ =	strace s3  }
0xf: {  	_ =	strace $0x8FFFFFFF  }
0x10: {  	s20 =	sld [smem:$0x3FDB];
	_ =	sdelay $0x1  }
0x11: {  	s4 =	simm.s32 $_scs_section_size  }
0x12: {  	s5 =	simm.s32 $_size__tile_overlayer_lowered;
	s6 =	simm.s32 $_tile_overlayer_lowered  }
0x13: {  	s23 =	simm.s32 $0x1BFF;
	s22 =	sshll.u32 s6, $0x1;
	s3 =	sadd.s32 s4, s20  }
0x14: {  	s7 =	simm.s32 $0x0;
	s21 =	sshll.u32 s5, $0x1;
	s5 =	sadd.s32 s22, s3  }
0x15: {  	[timem:s7], [sflag:s23] =	dma.local [hbm:s5], s21  }
0x16: {  	_ =	swait.ge [sflag:s23], s21  }
0x17: {  	s4 =	ssub.s32 $0x0, s21;
	[sflag:s23] =	ssyncset.done $0x0  }
0x18: {  	[sflag:s23] =	ssyncadd.s32 s4;
	_ =	sdelay $0x1  }
0x19: {  	s24 =	simm.s32 $0x1B8B  }
0x1a: {  	_ =	swait.ge [sflag:s24], $0x1  }
0x1b: {  	[sflag:s24] =	ssyncset.done $0x0  }
0x1c: {  	s26 =	simm.s32 $0x1B8E;
	s25 =	sld [smem:$0x3FFE];
	[sflag:s24] =	ssyncadd.s32 $0xFFFFFFFF  }
0x1d: {  	s27 =	simm.s32 $execute0_lowered;
	[smem:$0x3FD2] =	sst s26  }
0x1e: {  	s5 =	sshll.u32 s27, $0x1;
	_ =	strace $0x80000049;
	[dreg:$0x1] =	wrdreg $0xFFFFFFFF  }
0x1f: {  	s28 =	simm.s32 $_size_execute0_lowered;
	s3 =	sadd.s32 s3, s5;
	[dreg:$0x0] =	wrdreg $0x0  }
0x20: {  	s5 =	sshll.u32 s28, $0x1;
	[dreg:$0x2] =	wrdreg s3  }
0x21: {  	[dreg:$0x3] =	wrdreg s5  }
0x22: {  	[dreg:$0x4] =	wrdreg $0xC0  }
0x23: {  	_ =	task [dreg:s7], $0x5FFFF  }
0x24: {  	[dreg:$0x1] =	wrdreg $0xFFFFFFFF  }
0x25: {  	[dreg:$0x0] =	wrdreg $0x60  }
0x26: {  	[dreg:$0x2] =	wrdreg s25  }
0x27: {  	[dreg:$0x3] =	wrdreg s2  }
0x28: {  	[dreg:$0x4] =	wrdreg $0x9  }
0x29: {  	_ =	task.clear_ibuf [dreg:s7], $0x5FFFF;
	_ =	strace $0x90000049  }
0x2a: {  	s29 =	simm.s32 $0x9;
	_ =	strace $0x8000004B  }
0x2b: {  	_ =	swait.ge [sflag:s29], $0x1  }
0x2c: {  	[sflag:s29] =	ssyncadd.s32 $0xFFFFFFFF  }
0x2d: {  	_ =	strace $0x9000004B  }
0x2e: {  	_ =	sfence  }
0x2f: {  	s30 =	sld [smem:$0x0];
	_ =	sdelay $0x2  }
0x30: {  	s31 =	sshll.u32 s1, $0xD;
	s1 =	sshrl.u32 s1, $0x2  }
0x31: {  	s3 =	sand.u32 $0x4000, s31;
	s1 =	sadd.s32 s1, s30  }
0x32: {  	s0 =	sor.u32 s3, s0;
	s1 =	sshll.u32 s1, $0x11  }
0x33: {  	s0 =	sor.u32 s1, s0  }
0x34: {  	s0 =	sadd.s32 $0x8F2B, s0  }
0x35: {  	[sflag:s0] =	ssyncadd.remote.s32 $0x1  }
0x36: {  	_ =	sfence.sel $0xFFFF  }
0x37: {  	[dreg:$0x0] =	wrdreg $0xFFFFFFFF;
	(pc) =	sbr.abs _section_cstart, $3  }
0x38: {  	[dreg:$0x1] =	wrdreg $0xFFFFFFFF  }
0x39: {  	_ =	task.clear_ibuf [dreg:s7], $0x2FFFF;
	_ =	strace $0x9FFFFFFF  }
0x3a: {  	(tm) =	ssettm $0x7FFFFFFF  }
0x3b: {  	_ =	shalt  }
tec
execute0_lowered:
.L_overlay_start_1:
0x0: {  	(tag) =	ssettag $0x1  }
0x1: {  	s0 =	srdreg.scid  }
0x2: {  	s1 =	sshll.u32 s0, $0x4  }
0x3: {  	s6 =	rddreg [dreg:$0x0];
	s0 =	stileid.u32;
	s1 =	sand.u32 $0x10, s1  }
0x4: {  	s3 =	rddreg [dreg:$0x1];
	s1 =	sor.u32 s0, s1  }
0x5: {  	s5 =	simm.s32 $0x1;
	s31 =	simm.s32 $0x2;
	s2 =	sshll.u32 s1, $0x7  }
0x6: {  	s15 =	simm.s32 $0x0;
	s8 =	simm.s32 $0x10000;
	s4 =	ssub.s32 $0x4000, s2  }
0x7: {  	s14 =	simm.s32 $0x0;
	s9 =	simm.s32 $0x0;
	s30 =	sand.u32 $0xF80, s4  }
0x8: {  	s10 =	simm.s32 $0x0;
	s11 =	simm.s32 $0x0;
	p0 =	sne.s32 s30, $0x0  }
.Ltmp0:
0x9: {  	s7 =	sshrl.u32 s4, $0xC;
	s5 =	simm.s32 @!p0 $0x0;
	(pc) =	sbr.rel .LBB1_1-.Ltmp0, $4  }
0xa: {  	s13 =	simm.s32 $0x0;
	s1 =	rddreg [dreg:$0x2];
	s5 =	sadd.s32 s5, s7  }
0xb: {  	_ =	strace $0x8000004A;
	s4 =	simm.s32 $0x1;
	s5 =	smul.u32 $0xC8, s5  }
0xc: {  	s6 =	sadd.s32 $0x384800, s6;
	s12 =	smov.u32 s2;
	[sflag:s4] =	ssyncpa.u1 $0x0  }
0xd: {  	[sflag:s31] =	ssyncpa.u1 $0x0;
	p0 =	por $0x0, $0x0;
	s7 =	sor.u32 $0x1, s5  }
.LBB1_4:
0xe: {  	p1 =	sgt.s32 s9, $0xC7  }
0xf: {  	s18 =	smov.u32 s9;
	s19 =	sshra.s32 s9, $0x1F;
	s20 =	sand.u32 $0x78, s10  }
0x10: {  	s21 =	sshra.s32 s10, $0x1F;
	s22 =	sshll.u32 s10, $0x2;
	s25 =	sshll.u32 s9, $0xD  }
0x11: {  	s26 =	sshrl.u32 s10, $0x1;
	s18 =	simm.s32 @!p1 $0xC7;
	s19 =	sand.u32 s19, s9  }
0x12: {  	p1 =	sgt.s32 s10, $0x3F80;
	s18 =	ssub.s32 s18, s19;
	s19 =	smov.u32 s10  }
0x13: {  	s27 =	sand.u32 $0x7, s10;
	s21 =	sand.u32 s21, s10;
	s19 =	simm.s32 @!p1 $0x3F80  }
0x14: {  	s22 =	sand.u32 $0x3E00, s22;
	s18 =	sadd.s32 $0xFFFFFF39, s18;
	s19 =	ssub.s32 s19, s21  }
0x15: {  	p1 =	sgt.s32 s18, $0x0;
	s18 =	sshll.u32 s18, $0x2;
	s21 =	sadd.s32 $0xFFFFC080, s19  }
0x16: {  	s18 =	ssub.s32 $0x4, s18;
	s19 =	ssub.s32 $0x4000, s19;
	p2 =	sgt.s32 s21, $0x7F  }
0x17: {  	s20 =	sor.u32 s20, s22;
	s18 =	simm.s32 @p1 $0x0;
	s19 =	simm.s32 @p2 $0x0  }
0x18: {  	s21 =	sand.u32 $0x1800, s26;
	s18 =	smul.u32 s19, s18;
	s19 =	sadd.s32 s3, s25  }
0x19: {  	s28 =	sshll.u32 s27, $0x12;
	s20 =	sshrl.u32 s20, $0x3;
	s19 =	sadd.s32 s21, s19  }
0x1a: {  	[tilespmem:s17+$0x0 ss:$0x81] =	vst.msk $0xffff, v0;
	s31 =	sor.u32 $0x200, s28;
	s29 =	sand.u32 $0x3FFFFFFC, s18;
	s30 =	sadd.s32 s20, s19  }
0x1b: {  	[hbm4b:s30+s31] =	stream.strided.scatter [tilespmem:s16], [sflag:$0x2], s29, s8, s31, $0x20;
	[tilespmem:$0x4040] =	vst v63  }
.LBB1_5:
0x1c: {  	p1 =	slt.u32 s13, $0x2  }
0x1d: {  	p2 =	sgt.s32 @!p1 s15, $0xC7  }
0x1e: {  	s16 =	smov.u32 s15;
	s17 =	sshra.s32 @!p1 s15, $0x1F;
	p2 =	por !p2, p1  }
0x1f: {  	s18 =	sshra.s32 @!p1 s14, $0x1F;
	s16 =	simm.s32 @p2 $0xC7;
	p2 =	sgt.s32 @!p1 s14, $0x3F80  }
0x20: {  	s15 =	sand.u32 @!p1 s17, s15;
	s17 =	smov.u32 s14;
	p2 =	por !p2, p1  }
0x21: {  	s14 =	sand.u32 @!p1 s18, s14;
	s15 =	ssub.s32 @!p1 s16, s15;
	s17 =	simm.s32 @p2 $0x3F80  }
0x22: {  	s15 =	sadd.s32 @!p1 $0xFFFFFF39, s15;
	s14 =	ssub.s32 @!p1 s17, s14  }
0x23: {  	s18 =	smov.u32 s12;
	s16 =	sshll.u32 @!p1 s15, $0x2;
	s17 =	sadd.s32 @!p1 $0xFFFFC080, s14  }
0x24: {  	p2 =	sgt.s32 @!p1 s15, $0x0;
	s15 =	ssub.s32 @!p1 $0x4, s16;
	p3 =	sgt.s32 @!p1 s17, $0x7F  }
0x25: {  	p2 =	por !p2, p1;
	s14 =	ssub.s32 @!p1 $0x4000, s14;
	p3 =	por !p3, p1  }
0x26: {  	s16 =	sadd.s32 $0x1, s11;
	s15 =	simm.s32 @!p2 $0x0;
	s14 =	simm.s32 @!p3 $0x0  }
0x27: {  	p2 =	sgt.s32 s16, $0xC7;
	s14 =	smul.u32 @!p1 s14, s15;
	s15 =	sadd.s32 $0x1000, s12  }
0x28: {  	s18 =	smov.u32 @p2 s15  }
0x29: {  	s16 =	simm.s32 @p2 $0x0;
	p2 =	sgt.s32 s18, $0x3FFF  }
0x2a: {  	s18 =	smov.u32 @p2 s2;
	p2 =	sne.s32 s13, s7  }
.Ltmp1:
0x2b: {  	p0 =	por !p0, !p0;
	s17 =	simm.s32 @!p1 $0x2;
	(pc) =	sbr.rel @!p2 .LBB1_6-.Ltmp1, $4  }
0x2c: {  	s15 =	smov.u32 s9;
	s9 =	smov.u32 s11;
	s14 =	sand.u32 @!p1 $0x3FFFFFFC, s14  }
0x2d: {  	s11 =	smov.u32 s16;
	_ =	swait.ge @!p1 [sflag:s17], s14;
	s19 =	ssub.s32 @!p1 $0x0, s14  }
0x2e: {  	s14 =	smov.u32 s10;
	s13 =	sadd.s32 $0x1, s13;
	[sflag:s17] =	ssyncset.done @!p1 $0x0  }
0x2f: {  	s10 =	smov.u32 s12;
	s12 =	smov.u32 s18;
	[sflag:s17] =	ssyncadd.s32 @!p1 s19  }
.LBB1_1:
0x30: {  	p1 =	sge.u32 s13, s5  }
0x31: {  	s16 =	sand.u32 @!p1 $0x1FFFFFF, s11  }
0x32: {  	s17 =	smulhi.u32 @!p1 $0x147AE15, s16;
	_ =	sdelay $0x1  }
0x33: {  	s17 =	smul.u32 @!p1 $0xC8, s17  }
0x34: {  	s18 =	sxor.u32 @!p1 $0xFFFFFFFF, s13;
	s19 =	smul.u32 @!p1 $0xC80, s12  }
0x35: {  	s31 =	sadd.s32 $0xFFFFFFFF, s13;
	s18 =	sshll.u32 @!p1 s18, $0xC;
	s16 =	ssub.s32 @!p1 s16, s17  }
0x36: {  	s17 =	sand.u32 @!p1 $0x1000, s18;
	s18 =	sadd.s32 @!p1 s6, s19;
	s16 =	sshll.u32 @!p1 s16, $0x4  }
0x37: {  	s19 =	simm.s32 @!p1 $0x6400;
	s16 =	sadd.s32 @!p1 s16, s18;
	s18 =	simm.s32 @!p1 $0x20  }
0x38: {  	[tilespmem:s17], [sflag:$0x1] =	stream.strided.gather @!p1 [hbm4b:s16+s18], $0x1000, s19, s18, $0x38;
	[tilespmem:$0x4040] =	vst v63  }
0x39: {  	p1 =	sge.u32 s31, s5  }
.Ltmp2:
0x3a: {  	_ = 	snop;
	(pc) =	sbr.rel @p1 .LBB1_5-.Ltmp2, $1  }
0x3b: {  	_ =	sdelay $0x3  }
0x3c: {  	s16 =	simm.s32 $0x1  }
0x3d: {  	_ =	swait.ge [sflag:s4], $0x1000;
	s16 =	simm.s32 @!p0 $0x0  }
0x3e: {  	[sflag:s4] =	ssyncset.done $0x0;
	s17 =	sshll.u32 s16, $0xC  }
0x3f: {  	[sflag:s4] =	ssyncadd.s32 $0xFFFFF000;
	s20 =	sor.u32 $0x10, s17  }
0x40: {  	s16 =	smul.u32 $0x4080, s16;
	v1 =	vld [tilespmem:s20+$0x0]  }
0x41: {  	s30 =	sand.u32 $0x1, s13;
	v0 =	vld [tilespmem:s20+$0xFFFFFFF0]  }
0x42: {  	s17 =	smul.u32 $0x4080, s30;
	s16 =	sshrl.u32 s16, $0x2  }
0x43: {  	s18 =	sor.u32 $0x2000, s16  }
0x44: {  	s31 =	sshrl.u32 s17, $0x2;
	s17 =	sadd.s32 $0x0, s18  }
0x45: {  	s19 =	simm.s32 $0x4;
	s20 =	sadd.s32 $0x20, s20;
	s16 =	sor.u32 $0x2000, s31;
	[tilespmem:s17+$0x810 ss:$0x81] =	vst.msk $0xffff, v1  }
.LBB1_3:
0x46: {  	v1 =	vld [tilespmem:s20+$0x0];
	p1 =	sne.s32 s19, $0x1FC;
	[tilespmem:s17+$0x0 ss:$0x81] =	vst.msk $0xffff, v0;
	s17 =	smov.u32 s19;
	s19 =	sadd.s32 $0x4, s19  }
.Ltmp3:
0x47: {  	v0 =	vld [tilespmem:s20+$0xFFFFFFF0];
	(pc) =	sbr.rel @p1 .LBB1_3-.Ltmp3, $4  }
0x48: {  	_ = 	snop  }
0x49: {  	s17 =	sshra.s32 s17, $0x2  }
0x4a: {  	s17 =	sadd.s32 s17, s18  }
0x4b: {  	s20 =	sadd.s32 $0x20, s20;
	[tilespmem:s17+$0x810 ss:$0x81] =	vst.msk $0xffff, v1  }
.Ltmp4:
0x4c: {  	_ = 	snop;
	(pc) =	sbr.rel .LBB1_4-.Ltmp4, $1  }
0x4d: {  	_ =	sdelay $0x3  }
.LBB1_6:
0x4e: {  	_ =	sfence.sel $0x180000  }
0x4f: {  	s2 =	simm.s32 $0x1;
	[bflag:$0x0] =	sbarrier.arrive $0xFFFF  }
0x50: {  	s31 =	simm.s32 $0x2;
	[sflag:s2] =	ssyncpa.u1 $0x1  }
0x51: {  	[sflag:s31] =	ssyncpa.u1 $0x1  }
0x52: {  	p0 =	sne.s32 s0, $0x0;
	_ =	strace $0x9000004A  }
0x53: {  	s0 =	sadd.s32 @!p0 $0x100000, s1;
	[bflag:$0x2] =	sbarrier.arrive $0xFFFF  }
0x54: {  	[sflag:s0] =	ssyncadd.tile.s32 @!p0 $0x1;
	_ =	shalt  }
.Lfunc_end1:
_tile_overlayer_lowered:
.L_overlay_start_2:
0x55: {  	(tag) =	ssettag $0x2  }
0x56: {  	s0 =	rddreg [dreg:$0x0];
	s2 =	stileid.u32  }
0x57: {  	s1 =	rddreg [dreg:$0x1];
	p0 =	sne.s32 s2, $0x0  }
0x58: {  	s3 =	rddreg [dreg:$0x2];
	[bflag:$0x3] =	sbarrier.arrive $0xFFFF;
	s2 =	simm.s32 @!p0 $0x1C01  }
0x59: {  	[timem:s3], [sflag:s2] =	dma.local @!p0 [hbm:s0], s1  }
0x5a: {  	s0 =	simm.s32 @!p0 $0x1  }
0x5b: {  	_ =	swait.ge @!p0 [sflag:s0], s1  }
0x5c: {  	s1 =	ssub.s32 @!p0 $0x0, s1;
	[sflag:s0] =	ssyncset.done @!p0 $0x0  }
0x5d: {  	[sflag:s0] =	ssyncadd.s32 @!p0 s1  }
0x5e: {  	[bflag:$0x3] =	sbarrier.arrive $0xFFFF  }
0x5f: {  	_ =	shalt  }

</sc_bundles>
